<compile_context>
chip_gen: v7x
topology: tpu7x:2x2x1
jax: 0.10.2.dev20260603
libtpu: 0.0.44.dev20260713+nightly
codegen_flags: <defaults>
</compile_context>

<pallas_src>
import functools

import jax
import jax.numpy as jnp
from jax import lax
from jax.experimental import pallas as pl
from jax.experimental.pallas import tpu as pltpu
from jax.experimental.pallas import tpu_sc as plsc

B, S, D, E = 2, 2048, 1024, 8
TOTAL = B * S
CAPACITY = int(TOTAL / E * 1.25)
BLK = 128
NB = 24
PADROWS = NB * BLK
YROWS = PADROWS + BLK
CB = 512
JC = 768

NC, NS = 2, 16
NW = NC * NS


def _router_body(x_ref, wg_ref, bg_ref,
                 srow_ref, inv_ref, be_ref, loss_ref,
                 ohf_ref, ranks_ref):
    xx = x_ref[...]
    logits = jnp.dot(xx, wg_ref[...],
                     preferred_element_type=jnp.float32) + bg_ref[...]
    mx = jnp.max(logits, axis=1, keepdims=True)
    ex = jnp.exp(logits - mx)
    sm = ex / jnp.sum(ex, axis=1, keepdims=True)
    probs_sum = jnp.sum(sm, axis=0, keepdims=True)

    eids = lax.broadcasted_iota(jnp.int32, (TOTAL, E), 1)
    idx2d = jnp.min(jnp.where(logits == mx, eids, E), axis=1, keepdims=True)
    oh = idx2d == eids
    ohf = oh.astype(jnp.float32)
    hist0 = jnp.sum(ohf[:S], axis=0, keepdims=True)
    hist1 = jnp.sum(ohf[S:], axis=0, keepdims=True)

    tri = (lax.broadcasted_iota(jnp.int32, (CB, CB), 0) >=
           lax.broadcasted_iota(jnp.int32, (CB, CB), 1)).astype(jnp.float32)
    ohf_ref[...] = ohf

    def _cum_step(i, carry):
        blk = ohf_ref[pl.ds(i * CB, CB), :]
        csum = jnp.dot(tri, blk, preferred_element_type=jnp.float32) + carry
        ranks_ref[pl.ds(i * CB, CB), :] = csum
        return csum[CB - 1:CB, :]

    lax.fori_loop(0, TOTAL // CB, _cum_step, jnp.zeros((1, E), jnp.float32))
    inc = ranks_ref[...]

    rank_own = jnp.sum(inc * ohf, axis=1, keepdims=True)
    kept = rank_own <= float(CAPACITY)
    contrib = jnp.where(kept, idx2d, -1)
    tm = jnp.maximum(contrib[:S], contrib[S:])

    e_row = lax.broadcasted_iota(jnp.int32, (1, E), 1)
    sp0 = jnp.max(jnp.where(hist0 > 0, e_row, -1))
    sp1 = jnp.max(jnp.where((hist1 > 0) & (hist0 < CAPACITY), e_row, -1))
    sidx = lax.broadcasted_iota(jnp.int32, (S, 1), 0)
    tm = jnp.where(sidx == 0, jnp.maximum(tm, sp0), tm)
    tm = jnp.where(sidx == 1, jnp.maximum(tm, sp1), tm)

    oh_tm = tm == lax.broadcasted_iota(jnp.int32, (S, E), 1)
    ohtf = oh_tm.astype(jnp.float32)
    cnt = jnp.sum(ohtf, axis=0, keepdims=True).astype(jnp.int32)
    pc = ((cnt + (BLK - 1)) // BLK) * BLK
    triu = (lax.broadcasted_iota(jnp.int32, (E, E), 0) <
            lax.broadcasted_iota(jnp.int32, (E, E), 1)).astype(jnp.float32)
    off = jnp.dot(pc.astype(jnp.float32), triu,
                  preferred_element_type=jnp.float32).astype(jnp.int32)

    ohf_ref[pl.ds(0, S), :] = ohtf

    def _cum_step2(i, carry):
        blk = ohf_ref[pl.ds(i * CB, CB), :]
        csum = jnp.dot(tri, blk, preferred_element_type=jnp.float32) + carry
        ranks_ref[pl.ds(i * CB, CB), :] = csum
        return csum[CB - 1:CB, :]

    lax.fori_loop(0, S // CB, _cum_step2, jnp.zeros((1, E), jnp.float32))
    rk = ranks_ref[pl.ds(0, S), :]
    rank_tm = jnp.sum(rk * ohtf, axis=1, keepdims=True).astype(jnp.int32)
    off_own = jnp.sum(jnp.where(oh_tm, jnp.broadcast_to(off, (S, E)), 0),
                      axis=1, keepdims=True)
    valid = tm >= 0
    pos = off_own + rank_tm - 1

    inv_ref[...] = jnp.where(valid, pos, PADROWS)

    svals = lax.broadcasted_iota(jnp.int32, (S, 1), 0)
    posv = jnp.where(valid, pos, -1)
    for c in range(PADROWS // JC):
        jj = c * JC + lax.broadcasted_iota(jnp.int32, (S, JC), 1)
        hit = posv == jj
        vals = jnp.sum(jnp.where(hit, jnp.broadcast_to(svals, (S, JC)), 0),
                       axis=0, keepdims=True)
        occ = jnp.sum(hit.astype(jnp.int32), axis=0, keepdims=True)
        jrow = c * JC + lax.broadcasted_iota(jnp.int32, (1, JC), 1)
        srow_ref[:, pl.ds(c * JC, JC)] = jnp.where(occ > 0, vals, jrow)

    bj = BLK * lax.broadcasted_iota(jnp.int32, (NB, 1), 0)
    offb = jnp.broadcast_to(off, (NB, E))
    pcb = jnp.broadcast_to(pc, (NB, E))
    inb = (bj >= offb) & (bj < offb + pcb)
    be = jnp.sum(jnp.where(inb, lax.broadcasted_iota(jnp.int32, (NB, E), 1), 0),
                 axis=1, keepdims=True)
    e_last = jnp.max(jnp.where(pc > 0, e_row, 0))
    used = jnp.sum(inb.astype(jnp.int32), axis=1, keepdims=True) > 0
    be_ref[...] = jnp.where(used, be, e_last)

    dens = (hist0 + hist1) * (1.0 / TOTAL)
    probs = probs_sum * (1.0 / TOTAL)
    loss_ref[...] = jnp.sum(probs * dens, axis=1, keepdims=True) * float(E)


def _run_router(xf, Wg, bg2):
    return pl.pallas_call(
        _router_body,
        out_shape=[
            jax.ShapeDtypeStruct((1, PADROWS), jnp.int32),
            jax.ShapeDtypeStruct((S, 1), jnp.int32),
            jax.ShapeDtypeStruct((NB, 1), jnp.int32),
            jax.ShapeDtypeStruct((1, 1), jnp.float32),
        ],
        scratch_shapes=[
            pltpu.VMEM((TOTAL, E), jnp.float32),
            pltpu.VMEM((TOTAL, E), jnp.float32),
        ],
    )(xf, Wg, bg2)


def _ffn_body(be_ref, x_ref, w1_ref, b1_ref, w2_ref, b2_ref, y_ref):
    i = pl.program_id(0)

    @pl.when(i == NB)
    def _zero_block():
        y_ref[...] = jnp.zeros((BLK, D), jnp.float32)

    @pl.when(i != NB)
    def _compute():
        h = jnp.maximum(
            jnp.dot(x_ref[...], w1_ref[0], preferred_element_type=jnp.float32)
            + b1_ref[0], 0.0)
        y_ref[...] = (jnp.dot(h, w2_ref[0], preferred_element_type=jnp.float32)
                      + b2_ref[0])


def _run_ffn(be_flat, x_sorted, W1, b1, W2, b2):
    last = NB - 1
    grid_spec = pltpu.PrefetchScalarGridSpec(
        num_scalar_prefetch=1,
        grid=(NB + 1,),
        in_specs=[
            pl.BlockSpec((BLK, D), lambda i, be: (jnp.minimum(i, last), 0)),
            pl.BlockSpec((1, D, D), lambda i, be: (be[jnp.minimum(i, last)], 0, 0)),
            pl.BlockSpec((1, 1, D), lambda i, be: (be[jnp.minimum(i, last)], 0, 0)),
            pl.BlockSpec((1, D, D), lambda i, be: (be[jnp.minimum(i, last)], 0, 0)),
            pl.BlockSpec((1, 1, D), lambda i, be: (be[jnp.minimum(i, last)], 0, 0)),
        ],
        out_specs=pl.BlockSpec((BLK, D), lambda i, be: (i, 0)),
    )
    return pl.pallas_call(
        _ffn_body,
        grid_spec=grid_spec,
        out_shape=jax.ShapeDtypeStruct((YROWS, D), jnp.float32),
    )(be_flat, x_sorted, W1, b1.reshape(E, 1, D), W2, b2.reshape(E, 1, D))


def _make_sc_gather(n_rows_table, n_out, n_chunks):
    b_per_w = n_out // NW
    c = b_per_w // n_chunks
    mesh = plsc.VectorSubcoreMesh(core_axis_name="c", subcore_axis_name="s",
                                  num_cores=NC, num_subcores=NS)

    def body(table_hbm, idx_hbm, out_hbm, idx_v, rows_v, sem):
        wid = lax.axis_index("s") * NC + lax.axis_index("c")
        base = wid * b_per_w
        pltpu.sync_copy(idx_hbm.at[pl.ds(base, b_per_w)], idx_v)
        for k in range(n_chunks):
            off = base + k * c
            pltpu.async_copy(
                table_hbm.at[idx_v.at[pl.ds(k * c, c)]], rows_v, sem).wait()
            pltpu.sync_copy(rows_v, out_hbm.at[pl.ds(off, c)])

    return pl.kernel(
        body,
        out_type=jax.ShapeDtypeStruct((n_out, D), jnp.float32),
        mesh=mesh,
        scratch_types=[
            pltpu.VMEM((b_per_w,), jnp.int32),
            pltpu.VMEM((c, D), jnp.float32),
            pltpu.SemaphoreType.DMA,
        ],
    )


def _make_sc_combine():
    bw = S // NW
    mesh = plsc.VectorSubcoreMesh(core_axis_name="c", subcore_axis_name="s",
                                  num_cores=NC, num_subcores=NS)

    def body(table_hbm, idx_hbm, zeros_hbm, out_hbm, idx_v, rows_v, zbuf,
             gsem, zsem):
        wid = lax.axis_index("s") * NC + lax.axis_index("c")
        base = wid * bw
        zh = pltpu.async_copy(zeros_hbm.at[pl.ds(wid * (bw // 2), bw // 2)],
                              zbuf, zsem)
        pltpu.sync_copy(idx_hbm.at[pl.ds(base, bw)], idx_v)
        pltpu.async_copy(table_hbm.at[idx_v], rows_v, gsem).wait()
        pltpu.sync_copy(rows_v, out_hbm.at[pl.ds(base, bw)])
        zh.wait()
        pltpu.sync_copy(zbuf, out_hbm.at[pl.ds(S + base, bw // 2)])
        pltpu.sync_copy(zbuf, out_hbm.at[pl.ds(S + base + bw // 2, bw // 2)])

    return pl.kernel(
        body,
        out_type=jax.ShapeDtypeStruct((TOTAL, D), jnp.float32),
        mesh=mesh,
        scratch_types=[
            pltpu.VMEM((bw,), jnp.int32),
            pltpu.VMEM((bw, D), jnp.float32),
            pltpu.VMEM((bw // 2, D), jnp.float32),
            pltpu.SemaphoreType.DMA,
            pltpu.SemaphoreType.DMA,
        ],
    )


@jax.jit
def kernel(x, Wg, bg, W1, b1, W2, b2):
    xf = x.reshape(TOTAL, D)
    srow, inv, be, loss = _run_router(xf, Wg, bg.reshape(1, E))
    x_sorted = _make_sc_gather(TOTAL, PADROWS, 1)(xf, srow.reshape(PADROWS))
    y_ext = _run_ffn(be.reshape(NB), x_sorted, W1, b1, W2, b2)
    zeros_half = jnp.zeros((S // 2, D), jnp.float32)
    out = _make_sc_combine()(y_ext, inv.reshape(S), zeros_half)
    return out.reshape(B, S, D), loss.reshape(())

# --- scband reference (transcript-rebuilt; emitter-appended) ---
"""Pipeline reference for scband-sparse-mo-elayer-30769145708829 (READ-ONLY COPY).

The authoritative reference and input builder live on the scoring server;
editing this copy changes nothing except your own understanding.
"""

import jax, jax.numpy as jnp
import numpy as np

B, S, D, E = 2, 2048, 1024, 8
CAPACITY_FACTOR = 1.25

def setup_inputs(seed: int = 0):
    key = jax.random.key(seed)
    ks = jax.random.split(key, 8)
    x = jax.random.normal(ks[0], (B, S, D), jnp.float32)
    Wg = jax.random.normal(ks[1], (D, E), jnp.float32) * 0.02
    bg = jnp.zeros((E,), jnp.float32)
    W1 = jax.random.normal(ks[2], (E, D, D), jnp.float32) * 0.02
    b1 = jnp.zeros((E, D), jnp.float32)
    W2 = jax.random.normal(ks[3], (E, D, D), jnp.float32) * 0.02
    b2 = jnp.zeros((E, D), jnp.float32)
    return {"x": x, "Wg": Wg, "bg": bg, "W1": W1, "b1": b1, "W2": W2, "b2": b2}

def _forward(x, Wg, bg, W1, b1, W2, b2):
    b, s, d = x.shape
    total = b * s
    num_experts = Wg.shape[1]
    capacity = int(total / num_experts * CAPACITY_FACTOR)
    logits = x @ Wg + bg
    gating_score = jax.nn.softmax(logits, axis=-1)
    expert_indices = jnp.argmax(gating_score, axis=-1)
    flat_x = x.reshape(total, d)
    flat_idx = expert_indices.reshape(total)
    pos = jnp.arange(total)
    brow = pos // s
    scol = pos % s
    # Faithful replication of the torch code: nonzero on the 2D [B,S] mask yields
    # (batch, seq) coordinate PAIRS, and token_mask[indices] = e scatters the expert id
    # at the coordinate VALUES themselves (both columns). Capacity truncation keeps the
    # first min(n, capacity) rows in row-major (flat) order.
    token_mask = jnp.full((total,), -1, dtype=jnp.int32)
    for e in range(num_experts):
        m = flat_idx == e
        rank = jnp.cumsum(m) - 1
        kept = m & (rank < capacity)
        bidx = jnp.where(kept, brow, total)
        sidx = jnp.where(kept, scol, total)
        flag = jnp.zeros((total,), dtype=bool)
        flag = flag.at[bidx].set(True, mode='drop')
        flag = flag.at[sidx].set(True, mode='drop')
        token_mask = jnp.where(flag, jnp.int32(e), token_mask)
    output = jnp.zeros_like(flat_x)
    for e in range(num_experts):
        h = jax.nn.relu(flat_x @ W1[e] + b1[e])
        y = h @ W2[e] + b2[e]
        sel = token_mask == e
        output = jnp.where(sel[:, None], y, output)
    output = output.reshape(b, s, d)
    expert_probs = gating_score.reshape(total, num_experts).mean(axis=0)
    expert_density = jnp.bincount(flat_idx, length=num_experts) / total
    expert_losses = expert_probs * expert_density * (num_experts ** 2)
    expert_loss = expert_losses.mean()
    return output, expert_loss

def reference(x, Wg, bg, W1, b1, W2, b2):
    return _forward(x, Wg, bg, W1, b1, W2, b2)

if __name__ == "__main__":
    import jax
    _d = setup_inputs()
    print(jax.jit(kernel)(*tuple(_d.values())))

</pallas_src>

<mosaic_0001>
#map = affine_map<(d0, d1) -> (0, 0)>
#map1 = affine_map<(d0, d1) -> (0)>
module attributes {stable_mosaic.version = 14 : i64} {
  func.func @body(%arg0: i32, %arg1: i32, %arg2: memref<4096x1024xf32, #tpu.memory_space<hbm>>, %arg3: memref<3072xi32, #tpu.memory_space<hbm>>, %arg4: memref<3072x1024xf32, #tpu.memory_space<hbm>>, %arg5: memref<96xi32, #tpu.memory_space<vmem>>, %arg6: memref<96x1024xf32, #tpu.memory_space<vmem>>, %arg7: memref<!tpu.dma_semaphore, #tpu.memory_space<semaphore_mem>>) attributes {dimension_semantics = [#tpu.dimension_semantics<core_parallel>, #tpu.dimension_semantics<subcore_parallel>], iteration_bounds = array<i64: 2, 16>, scalar_prefetch = 0 : i64, scratch_operands = 3 : i64, tpu.core_type = #tpu.core_type<sc_vector_subcore>, window_params = [{transform_indices = #map}, {transform_indices = #map1}, {transform_indices = #map}]} {
    %mul3A = arith.constant 2 : i32
    %mul3A_0 = arith.muli %arg1, %mul3A : i32
    %add3A = arith.addi %mul3A_0, %arg0 : i32
    %mul3A_1 = arith.constant 96 : i32
    %mul3A_2 = arith.muli %add3A, %mul3A_1 : i32
    "tpu.region"() ({
      %run_scoped3A = tpu.sem_alloc : memref<!tpu.dma_semaphore, #tpu.memory_space<semaphore_mem>>
      %dma_start3A_13 = tpu.memref_slice %arg3[%mul3A_2] : memref<3072xi32, #tpu.memory_space<hbm>> -> memref<96xi32, #tpu.memory_space<hbm>>
      %dma_start3A_14 = tpu.memref_slice %arg3[%mul3A_2] : memref<3072xi32, #tpu.memory_space<hbm>> -> memref<96xi32, #tpu.memory_space<hbm>>
      tpu.enqueue_dma source(%dma_start3A_14 : memref<96xi32, #tpu.memory_space<hbm>>) target(%arg5 : memref<96xi32, #tpu.memory_space<vmem>>) target_semaphore(%run_scoped3A : memref<!tpu.dma_semaphore, #tpu.memory_space<semaphore_mem>>)
      %dma_wait3A_15 = tpu.memref_slice %arg3[%mul3A_2] : memref<3072xi32, #tpu.memory_space<hbm>> -> memref<96xi32, #tpu.memory_space<hbm>>
      %dma_wait3A_16 = tpu.memref_slice %arg3[%mul3A_2] : memref<3072xi32, #tpu.memory_space<hbm>> -> memref<96xi32, #tpu.memory_space<hbm>>
      tpu.wait_dma2 semaphore(%run_scoped3A : memref<!tpu.dma_semaphore, #tpu.memory_space<semaphore_mem>>) src(%dma_wait3A_16 : memref<96xi32, #tpu.memory_space<hbm>>) dst(%arg5 : memref<96xi32, #tpu.memory_space<vmem>>)
      tpu.yield
    }) : () -> ()
    %add3A_3 = arith.constant 0 : i32
    %add3A_4 = arith.addi %mul3A_2, %add3A_3 : i32
    %dma_start3A = arith.constant 0 : i32
    %dma_start3A_5 = tpu.memref_slice %arg5[%dma_start3A] : memref<96xi32, #tpu.memory_space<vmem>> -> memref<96xi32, #tpu.memory_space<vmem>>
    %dma_start3A_6 = arith.constant 0 : i32
    %dma_start3A_7 = arith.constant 0 : i32
    %dma_start3A_8 = tpu.memref_slice %arg2[%dma_start3A_6, %dma_start3A_7] : memref<4096x1024xf32, #tpu.memory_space<hbm>> -> memref<4096x1024xf32, #tpu.memory_space<hbm>>
    tpu.enqueue_indirect_dma source(%dma_start3A_8 : memref<4096x1024xf32, #tpu.memory_space<hbm>>) target(%arg6 : memref<96x1024xf32, #tpu.memory_space<vmem>>) offsets(%dma_start3A_5 : memref<96xi32, #tpu.memory_space<vmem>>) semaphore(%arg7 : memref<!tpu.dma_semaphore, #tpu.memory_space<semaphore_mem>>)
    %dma_wait3A = arith.constant 0 : i32
    %dma_wait3A_9 = tpu.memref_slice %arg5[%dma_wait3A] : memref<96xi32, #tpu.memory_space<vmem>> -> memref<96xi32, #tpu.memory_space<vmem>>
    %dma_wait3A_10 = arith.constant 0 : i32
    %dma_wait3A_11 = arith.constant 0 : i32
    %dma_wait3A_12 = tpu.memref_slice %arg2[%dma_wait3A_10, %dma_wait3A_11] : memref<4096x1024xf32, #tpu.memory_space<hbm>> -> memref<4096x1024xf32, #tpu.memory_space<hbm>>
    tpu.wait_indirect_dma semaphore(%arg7 : memref<!tpu.dma_semaphore, #tpu.memory_space<semaphore_mem>>) src(%dma_wait3A_12 : memref<4096x1024xf32, #tpu.memory_space<hbm>>) dst(%arg6 : memref<96x1024xf32, #tpu.memory_space<vmem>>)
    "tpu.region"() ({
      %run_scoped3A = tpu.sem_alloc : memref<!tpu.dma_semaphore, #tpu.memory_space<semaphore_mem>>
      %dma_start3A_13 = arith.constant 0 : i32
      %dma_start3A_14 = tpu.memref_slice %arg4[%add3A_4, %dma_start3A_13] : memref<3072x1024xf32, #tpu.memory_space<hbm>> -> memref<96x1024xf32, #tpu.memory_space<hbm>>
      %dma_start3A_15 = arith.constant 0 : i32
      %dma_start3A_16 = tpu.memref_slice %arg4[%add3A_4, %dma_start3A_15] : memref<3072x1024xf32, #tpu.memory_space<hbm>> -> memref<96x1024xf32, #tpu.memory_space<hbm>>
      tpu.enqueue_dma source(%arg6 : memref<96x1024xf32, #tpu.memory_space<vmem>>) target(%dma_start3A_16 : memref<96x1024xf32, #tpu.memory_space<hbm>>) target_semaphore(%run_scoped3A : memref<!tpu.dma_semaphore, #tpu.memory_space<semaphore_mem>>)
      %dma_wait3A_17 = arith.constant 0 : i32
      %dma_wait3A_18 = tpu.memref_slice %arg4[%add3A_4, %dma_wait3A_17] : memref<3072x1024xf32, #tpu.memory_space<hbm>> -> memref<96x1024xf32, #tpu.memory_space<hbm>>
      %dma_wait3A_19 = arith.constant 0 : i32
      %dma_wait3A_20 = tpu.memref_slice %arg4[%add3A_4, %dma_wait3A_19] : memref<3072x1024xf32, #tpu.memory_space<hbm>> -> memref<96x1024xf32, #tpu.memory_space<hbm>>
      tpu.wait_dma2 semaphore(%run_scoped3A : memref<!tpu.dma_semaphore, #tpu.memory_space<semaphore_mem>>) src(%arg6 : memref<96x1024xf32, #tpu.memory_space<vmem>>) dst(%dma_wait3A_20 : memref<96x1024xf32, #tpu.memory_space<hbm>>)
      tpu.yield
    }) : () -> ()
    return
  }
}

#map = affine_map<(d0, d1) -> (0, 0)>
#map1 = affine_map<(d0, d1) -> (0)>
module attributes {stable_mosaic.version = 14 : i64} {
  func.func @body(%arg0: i32, %arg1: i32, %arg2: memref<3200x1024xf32, #tpu.memory_space<hbm>>, %arg3: memref<2048xi32, #tpu.memory_space<hbm>>, %arg4: memref<1024x1024xf32, #tpu.memory_space<hbm>>, %arg5: memref<4096x1024xf32, #tpu.memory_space<hbm>>, %arg6: memref<64xi32, #tpu.memory_space<vmem>>, %arg7: memref<64x1024xf32, #tpu.memory_space<vmem>>, %arg8: memref<32x1024xf32, #tpu.memory_space<vmem>>, %arg9: memref<!tpu.dma_semaphore, #tpu.memory_space<semaphore_mem>>, %arg10: memref<!tpu.dma_semaphore, #tpu.memory_space<semaphore_mem>>) attributes {dimension_semantics = [#tpu.dimension_semantics<core_parallel>, #tpu.dimension_semantics<subcore_parallel>], iteration_bounds = array<i64: 2, 16>, scalar_prefetch = 0 : i64, scratch_operands = 5 : i64, tpu.core_type = #tpu.core_type<sc_vector_subcore>, window_params = [{transform_indices = #map}, {transform_indices = #map1}, {transform_indices = #map}, {transform_indices = #map}]} {
    %mul3A = arith.constant 2 : i32
    %mul3A_0 = arith.muli %arg1, %mul3A : i32
    %add3A = arith.addi %mul3A_0, %arg0 : i32
    %mul3A_1 = arith.constant 64 : i32
    %mul3A_2 = arith.muli %add3A, %mul3A_1 : i32
    %mul3A_3 = arith.constant 32 : i32
    %mul3A_4 = arith.muli %add3A, %mul3A_3 : i32
    %dma_start3A = arith.constant 0 : i32
    %dma_start3A_5 = tpu.memref_slice %arg4[%mul3A_4, %dma_start3A] : memref<1024x1024xf32, #tpu.memory_space<hbm>> -> memref<32x1024xf32, #tpu.memory_space<hbm>>
    %dma_start3A_6 = arith.constant 0 : i32
    %dma_start3A_7 = tpu.memref_slice %arg4[%mul3A_4, %dma_start3A_6] : memref<1024x1024xf32, #tpu.memory_space<hbm>> -> memref<32x1024xf32, #tpu.memory_space<hbm>>
    tpu.enqueue_dma source(%dma_start3A_7 : memref<32x1024xf32, #tpu.memory_space<hbm>>) target(%arg8 : memref<32x1024xf32, #tpu.memory_space<vmem>>) target_semaphore(%arg10 : memref<!tpu.dma_semaphore, #tpu.memory_space<semaphore_mem>>)
    "tpu.region"() ({
      %run_scoped3A = tpu.sem_alloc : memref<!tpu.dma_semaphore, #tpu.memory_space<semaphore_mem>>
      %dma_start3A_23 = tpu.memref_slice %arg3[%mul3A_2] : memref<2048xi32, #tpu.memory_space<hbm>> -> memref<64xi32, #tpu.memory_space<hbm>>
      %dma_start3A_24 = tpu.memref_slice %arg3[%mul3A_2] : memref<2048xi32, #tpu.memory_space<hbm>> -> memref<64xi32, #tpu.memory_space<hbm>>
      tpu.enqueue_dma source(%dma_start3A_24 : memref<64xi32, #tpu.memory_space<hbm>>) target(%arg6 : memref<64xi32, #tpu.memory_space<vmem>>) target_semaphore(%run_scoped3A : memref<!tpu.dma_semaphore, #tpu.memory_space<semaphore_mem>>)
      %dma_wait3A_25 = tpu.memref_slice %arg3[%mul3A_2] : memref<2048xi32, #tpu.memory_space<hbm>> -> memref<64xi32, #tpu.memory_space<hbm>>
      %dma_wait3A_26 = tpu.memref_slice %arg3[%mul3A_2] : memref<2048xi32, #tpu.memory_space<hbm>> -> memref<64xi32, #tpu.memory_space<hbm>>
      tpu.wait_dma2 semaphore(%run_scoped3A : memref<!tpu.dma_semaphore, #tpu.memory_space<semaphore_mem>>) src(%dma_wait3A_26 : memref<64xi32, #tpu.memory_space<hbm>>) dst(%arg6 : memref<64xi32, #tpu.memory_space<vmem>>)
      tpu.yield
    }) : () -> ()
    %dma_start3A_8 = arith.constant 0 : i32
    %dma_start3A_9 = arith.constant 0 : i32
    %dma_start3A_10 = tpu.memref_slice %arg2[%dma_start3A_8, %dma_start3A_9] : memref<3200x1024xf32, #tpu.memory_space<hbm>> -> memref<3200x1024xf32, #tpu.memory_space<hbm>>
    tpu.enqueue_indirect_dma source(%dma_start3A_10 : memref<3200x1024xf32, #tpu.memory_space<hbm>>) target(%arg7 : memref<64x1024xf32, #tpu.memory_space<vmem>>) offsets(%arg6 : memref<64xi32, #tpu.memory_space<vmem>>) semaphore(%arg9 : memref<!tpu.dma_semaphore, #tpu.memory_space<semaphore_mem>>)
    %dma_wait3A = arith.constant 0 : i32
    %dma_wait3A_11 = arith.constant 0 : i32
    %dma_wait3A_12 = tpu.memref_slice %arg2[%dma_wait3A, %dma_wait3A_11] : memref<3200x1024xf32, #tpu.memory_space<hbm>> -> memref<3200x1024xf32, #tpu.memory_space<hbm>>
    tpu.wait_indirect_dma semaphore(%arg9 : memref<!tpu.dma_semaphore, #tpu.memory_space<semaphore_mem>>) src(%dma_wait3A_12 : memref<3200x1024xf32, #tpu.memory_space<hbm>>) dst(%arg7 : memref<64x1024xf32, #tpu.memory_space<vmem>>)
    "tpu.region"() ({
      %run_scoped3A = tpu.sem_alloc : memref<!tpu.dma_semaphore, #tpu.memory_space<semaphore_mem>>
      %dma_start3A_23 = arith.constant 0 : i32
      %dma_start3A_24 = tpu.memref_slice %arg5[%mul3A_2, %dma_start3A_23] : memref<4096x1024xf32, #tpu.memory_space<hbm>> -> memref<64x1024xf32, #tpu.memory_space<hbm>>
      %dma_start3A_25 = arith.constant 0 : i32
      %dma_start3A_26 = tpu.memref_slice %arg5[%mul3A_2, %dma_start3A_25] : memref<4096x1024xf32, #tpu.memory_space<hbm>> -> memref<64x1024xf32, #tpu.memory_space<hbm>>
      tpu.enqueue_dma source(%arg7 : memref<64x1024xf32, #tpu.memory_space<vmem>>) target(%dma_start3A_26 : memref<64x1024xf32, #tpu.memory_space<hbm>>) target_semaphore(%run_scoped3A : memref<!tpu.dma_semaphore, #tpu.memory_space<semaphore_mem>>)
      %dma_wait3A_27 = arith.constant 0 : i32
      %dma_wait3A_28 = tpu.memref_slice %arg5[%mul3A_2, %dma_wait3A_27] : memref<4096x1024xf32, #tpu.memory_space<hbm>> -> memref<64x1024xf32, #tpu.memory_space<hbm>>
      %dma_wait3A_29 = arith.constant 0 : i32
      %dma_wait3A_30 = tpu.memref_slice %arg5[%mul3A_2, %dma_wait3A_29] : memref<4096x1024xf32, #tpu.memory_space<hbm>> -> memref<64x1024xf32, #tpu.memory_space<hbm>>
      tpu.wait_dma2 semaphore(%run_scoped3A : memref<!tpu.dma_semaphore, #tpu.memory_space<semaphore_mem>>) src(%arg7 : memref<64x1024xf32, #tpu.memory_space<vmem>>) dst(%dma_wait3A_30 : memref<64x1024xf32, #tpu.memory_space<hbm>>)
      tpu.yield
    }) : () -> ()
    %dma_wait3A_13 = arith.constant 0 : i32
    %dma_wait3A_14 = tpu.memref_slice %arg4[%mul3A_4, %dma_wait3A_13] : memref<1024x1024xf32, #tpu.memory_space<hbm>> -> memref<32x1024xf32, #tpu.memory_space<hbm>>
    %dma_wait3A_15 = arith.constant 0 : i32
    %dma_wait3A_16 = tpu.memref_slice %arg4[%mul3A_4, %dma_wait3A_15] : memref<1024x1024xf32, #tpu.memory_space<hbm>> -> memref<32x1024xf32, #tpu.memory_space<hbm>>
    tpu.wait_dma2 semaphore(%arg10 : memref<!tpu.dma_semaphore, #tpu.memory_space<semaphore_mem>>) src(%dma_wait3A_16 : memref<32x1024xf32, #tpu.memory_space<hbm>>) dst(%arg8 : memref<32x1024xf32, #tpu.memory_space<vmem>>)
    %add3A_17 = arith.constant 2048 : i32
    %add3A_18 = arith.addi %add3A_17, %mul3A_2 : i32
    "tpu.region"() ({
      %run_scoped3A = tpu.sem_alloc : memref<!tpu.dma_semaphore, #tpu.memory_space<semaphore_mem>>
      %dma_start3A_23 = arith.constant 0 : i32
      %dma_start3A_24 = tpu.memref_slice %arg5[%add3A_18, %dma_start3A_23] : memref<4096x1024xf32, #tpu.memory_space<hbm>> -> memref<32x1024xf32, #tpu.memory_space<hbm>>
      %dma_start3A_25 = arith.constant 0 : i32
      %dma_start3A_26 = tpu.memref_slice %arg5[%add3A_18, %dma_start3A_25] : memref<4096x1024xf32, #tpu.memory_space<hbm>> -> memref<32x1024xf32, #tpu.memory_space<hbm>>
      tpu.enqueue_dma source(%arg8 : memref<32x1024xf32, #tpu.memory_space<vmem>>) target(%dma_start3A_26 : memref<32x1024xf32, #tpu.memory_space<hbm>>) target_semaphore(%run_scoped3A : memref<!tpu.dma_semaphore, #tpu.memory_space<semaphore_mem>>)
      %dma_wait3A_27 = arith.constant 0 : i32
      %dma_wait3A_28 = tpu.memref_slice %arg5[%add3A_18, %dma_wait3A_27] : memref<4096x1024xf32, #tpu.memory_space<hbm>> -> memref<32x1024xf32, #tpu.memory_space<hbm>>
      %dma_wait3A_29 = arith.constant 0 : i32
      %dma_wait3A_30 = tpu.memref_slice %arg5[%add3A_18, %dma_wait3A_29] : memref<4096x1024xf32, #tpu.memory_space<hbm>> -> memref<32x1024xf32, #tpu.memory_space<hbm>>
      tpu.wait_dma2 semaphore(%run_scoped3A : memref<!tpu.dma_semaphore, #tpu.memory_space<semaphore_mem>>) src(%arg8 : memref<32x1024xf32, #tpu.memory_space<vmem>>) dst(%dma_wait3A_30 : memref<32x1024xf32, #tpu.memory_space<hbm>>)
      tpu.yield
    }) : () -> ()
    %add3A_19 = arith.constant 2048 : i32
    %add3A_20 = arith.addi %add3A_19, %mul3A_2 : i32
    %add3A_21 = arith.constant 32 : i32
    %add3A_22 = arith.addi %add3A_20, %add3A_21 : i32
    "tpu.region"() ({
      %run_scoped3A = tpu.sem_alloc : memref<!tpu.dma_semaphore, #tpu.memory_space<semaphore_mem>>
      %dma_start3A_23 = arith.constant 0 : i32
      %dma_start3A_24 = tpu.memref_slice %arg5[%add3A_22, %dma_start3A_23] : memref<4096x1024xf32, #tpu.memory_space<hbm>> -> memref<32x1024xf32, #tpu.memory_space<hbm>>
      %dma_start3A_25 = arith.constant 0 : i32
      %dma_start3A_26 = tpu.memref_slice %arg5[%add3A_22, %dma_start3A_25] : memref<4096x1024xf32, #tpu.memory_space<hbm>> -> memref<32x1024xf32, #tpu.memory_space<hbm>>
      tpu.enqueue_dma source(%arg8 : memref<32x1024xf32, #tpu.memory_space<vmem>>) target(%dma_start3A_26 : memref<32x1024xf32, #tpu.memory_space<hbm>>) target_semaphore(%run_scoped3A : memref<!tpu.dma_semaphore, #tpu.memory_space<semaphore_mem>>)
      %dma_wait3A_27 = arith.constant 0 : i32
      %dma_wait3A_28 = tpu.memref_slice %arg5[%add3A_22, %dma_wait3A_27] : memref<4096x1024xf32, #tpu.memory_space<hbm>> -> memref<32x1024xf32, #tpu.memory_space<hbm>>
      %dma_wait3A_29 = arith.constant 0 : i32
      %dma_wait3A_30 = tpu.memref_slice %arg5[%add3A_22, %dma_wait3A_29] : memref<4096x1024xf32, #tpu.memory_space<hbm>> -> memref<32x1024xf32, #tpu.memory_space<hbm>>
      tpu.wait_dma2 semaphore(%run_scoped3A : memref<!tpu.dma_semaphore, #tpu.memory_space<semaphore_mem>>) src(%arg8 : memref<32x1024xf32, #tpu.memory_space<vmem>>) dst(%dma_wait3A_30 : memref<32x1024xf32, #tpu.memory_space<hbm>>)
      tpu.yield
    }) : () -> ()
    return
  }
}

module attributes {stable_mosaic.version = 14 : i64} {
  func.func @_router_body(%arg0: memref<4096x1024xf32, #tpu.memory_space<vmem>>, %arg1: memref<1024x8xf32, #tpu.memory_space<vmem>>, %arg2: memref<1x8xf32, #tpu.memory_space<vmem>>, %arg3: memref<1x3072xi32, #tpu.memory_space<vmem>>, %arg4: memref<2048x1xi32, #tpu.memory_space<vmem>>, %arg5: memref<24x1xi32, #tpu.memory_space<vmem>>, %arg6: memref<1x1xf32, #tpu.memory_space<vmem>>, %arg7: memref<4096x8xf32, #tpu.memory_space<vmem>>, %arg8: memref<4096x8xf32, #tpu.memory_space<vmem>>) attributes {dimension_semantics = [], scalar_prefetch = 0 : i64, scratch_operands = 2 : i64, tpu.core_type = #tpu.core_type<tc>} {
    %get3A = arith.constant 0 : index
    %get3A_0 = arith.constant 0 : index
    %get3A_1 = vector.load %arg0[%get3A, %get3A_0] : memref<4096x1024xf32, #tpu.memory_space<vmem>>, vector<4096x1024xf32>
    %get3A_2 = arith.constant 0 : index
    %get3A_3 = arith.constant 0 : index
    %get3A_4 = vector.load %arg1[%get3A_2, %get3A_3] : memref<1024x8xf32, #tpu.memory_space<vmem>>, vector<1024x8xf32>
    %dot_general3A = arith.constant dense<0.000000e+00> : vector<4096x8xf32>
    %dot_general3A_5 = tpu.matmul %get3A_1, %get3A_4, %dot_general3A {dimension_numbers = #tpu.dot_dimension_numbers<[1], [0], [0], [1], [0, 0, 1, 1], [], []>, transpose_lhs_hint = false} : vector<4096x1024xf32>, vector<1024x8xf32>, vector<4096x8xf32> -> vector<4096x8xf32>
    %get3A_6 = arith.constant 0 : index
    %get3A_7 = arith.constant 0 : index
    %get3A_8 = vector.load %arg2[%get3A_6, %get3A_7] : memref<1x8xf32, #tpu.memory_space<vmem>>, vector<1x8xf32>
    %add3A = vector.broadcast %get3A_8 : vector<1x8xf32> to vector<4096x8xf32>
    %add3A_9 = arith.addf %dot_general3A_5, %add3A : vector<4096x8xf32>
    %reduce_max3A = arith.constant dense<0xFF800000> : vector<4096xf32>
    %reduce_max3A_10 = vector.multi_reduction <maximumf>, %add3A_9, %reduce_max3A [1] : vector<4096x8xf32> to vector<4096xf32>
    %broadcast_in_dim3A = vector.shape_cast %reduce_max3A_10 : vector<4096xf32> to vector<4096x1xf32>
    %sub3A = vector.broadcast %broadcast_in_dim3A : vector<4096x1xf32> to vector<4096x8xf32>
    %sub3A_11 = arith.subf %add3A_9, %sub3A : vector<4096x8xf32>
    %exp3A = math.exp %sub3A_11 : vector<4096x8xf32>
    %reduce_sum3A = arith.constant dense<0.000000e+00> : vector<4096xf32>
    %reduce_sum3A_12 = vector.multi_reduction <add>, %exp3A, %reduce_sum3A [1] : vector<4096x8xf32> to vector<4096xf32>
    %broadcast_in_dim3A_13 = vector.shape_cast %reduce_sum3A_12 : vector<4096xf32> to vector<4096x1xf32>
    %div3A = vector.broadcast %broadcast_in_dim3A_13 : vector<4096x1xf32> to vector<4096x8xf32>
    %div3A_14 = arith.divf %exp3A, %div3A : vector<4096x8xf32>
    %reduce_sum3A_15 = arith.constant dense<0.000000e+00> : vector<8xf32>
    %reduce_sum3A_16 = vector.multi_reduction <add>, %div3A_14, %reduce_sum3A_15 [0] : vector<4096x8xf32> to vector<8xf32>
    %broadcast_in_dim3A_17 = vector.shape_cast %reduce_sum3A_16 : vector<8xf32> to vector<1x8xf32>
    %iota3A = tpu.iota {dimensions = array<i32: 1>} : vector<4096x8xi32>
    %eq3A = vector.broadcast %broadcast_in_dim3A : vector<4096x1xf32> to vector<4096x8xf32>
    %eq3A_18 = arith.cmpf oeq, %add3A_9, %eq3A : vector<4096x8xf32>
    %jit3A = arith.constant 8 : i32
    %broadcast_in_dim3A_19 = vector.broadcast %jit3A : i32 to vector<4096x8xi32>
    %select_n3A = arith.select %eq3A_18, %iota3A, %broadcast_in_dim3A_19 : vector<4096x8xi1>, vector<4096x8xi32>
    %reduce_min3A = arith.constant dense<2147483647> : vector<4096xi32>
    %reduce_min3A_20 = vector.multi_reduction <minsi>, %select_n3A, %reduce_min3A [1] : vector<4096x8xi32> to vector<4096xi32>
    %broadcast_in_dim3A_21 = vector.shape_cast %reduce_min3A_20 : vector<4096xi32> to vector<4096x1xi32>
    %eq3A_22 = vector.broadcast %broadcast_in_dim3A_21 : vector<4096x1xi32> to vector<4096x8xi32>
    %eq3A_23 = arith.cmpi eq, %eq3A_22, %iota3A : vector<4096x8xi32>
    %convert_element_type3A = arith.extui %eq3A_23 : vector<4096x8xi1> to vector<4096x8xi32>
    %convert_element_type3A_24 = arith.sitofp %convert_element_type3A : vector<4096x8xi32> to vector<4096x8xf32>
    %slice3A = vector.extract_strided_slice %convert_element_type3A_24 {offsets = [0, 0], sizes = [2048, 8], strides = [1, 1]} : vector<4096x8xf32> to vector<2048x8xf32>
    %reduce_sum3A_25 = arith.constant dense<0.000000e+00> : vector<8xf32>
    %reduce_sum3A_26 = vector.multi_reduction <add>, %slice3A, %reduce_sum3A_25 [0] : vector<2048x8xf32> to vector<8xf32>
    %broadcast_in_dim3A_27 = vector.shape_cast %reduce_sum3A_26 : vector<8xf32> to vector<1x8xf32>
    %slice3A_28 = vector.extract_strided_slice %convert_element_type3A_24 {offsets = [2048, 0], sizes = [2048, 8], strides = [1, 1]} : vector<4096x8xf32> to vector<2048x8xf32>
    %reduce_sum3A_29 = arith.constant dense<0.000000e+00> : vector<8xf32>
    %reduce_sum3A_30 = vector.multi_reduction <add>, %slice3A_28, %reduce_sum3A_29 [0] : vector<2048x8xf32> to vector<8xf32>
    %broadcast_in_dim3A_31 = vector.shape_cast %reduce_sum3A_30 : vector<8xf32> to vector<1x8xf32>
    %iota3A_32 = tpu.iota {dimensions = array<i32: 0>} : vector<512x512xi32>
    %iota3A_33 = tpu.iota {dimensions = array<i32: 1>} : vector<512x512xi32>
    %ge3A = arith.cmpi sge, %iota3A_32, %iota3A_33 : vector<512x512xi32>
    %convert_element_type3A_34 = arith.extui %ge3A : vector<512x512xi1> to vector<512x512xi32>
    %convert_element_type3A_35 = arith.sitofp %convert_element_type3A_34 : vector<512x512xi32> to vector<512x512xf32>
    %swap3A = arith.constant 0 : index
    %swap3A_36 = arith.constant 0 : index
    %swap3A_37 = vector.load %arg7[%swap3A, %swap3A_36] : memref<4096x8xf32, #tpu.memory_space<vmem>>, vector<4096x8xf32>
    tpu.vector_store %arg7[%swap3A, %swap3A_36], %convert_element_type3A_24 {strides = array<i32>} : memref<4096x8xf32, #tpu.memory_space<vmem>>, vector<4096x8xf32>,
    %broadcast_in_dim3A_38 = arith.constant 0.000000e+00 : f32
    %broadcast_in_dim3A_39 = vector.broadcast %broadcast_in_dim3A_38 : f32 to vector<1x8xf32>
    %scan3A = arith.constant 0 : i32
    %scan3A_40 = arith.constant 8 : i32
    %scan3A_41 = arith.addi %scan3A, %scan3A_40 : i32
    %scan3A_42 = arith.constant 1 : i32
    %scan3A_43 = scf.for %scan3A_368 = %scan3A to %scan3A_41 step %scan3A_42 iter_args(%scan3A_369 = %broadcast_in_dim3A_39) -> (vector<1x8xf32>)  : i32 {
      %mul3A_370 = arith.constant 512 : i32
      %mul3A_371 = arith.muli %scan3A_368, %mul3A_370 : i32
      %get3A_372 = arith.index_cast %mul3A_371 : i32 to index
      %get3A_373 = arith.constant 0 : index
      %get3A_374 = vector.load %arg7[%get3A_372, %get3A_373] : memref<4096x8xf32, #tpu.memory_space<vmem>>, vector<512x8xf32>
      %dot_general3A_375 = arith.constant dense<0.000000e+00> : vector<512x8xf32>
      %dot_general3A_376 = tpu.matmul %convert_element_type3A_35, %get3A_374, %dot_general3A_375 {dimension_numbers = #tpu.dot_dimension_numbers<[1], [0], [0], [1], [0, 0, 1, 1], [], []>, transpose_lhs_hint = false} : vector<512x512xf32>, vector<512x8xf32>, vector<512x8xf32> -> vector<512x8xf32>
      %add3A_377 = vector.broadcast %scan3A_369 : vector<1x8xf32> to vector<512x8xf32>
      %add3A_378 = arith.addf %dot_general3A_376, %add3A_377 : vector<512x8xf32>
      %mul3A_379 = arith.constant 512 : i32
      %mul3A_380 = arith.muli %scan3A_368, %mul3A_379 : i32
      %swap3A_381 = arith.index_cast %mul3A_380 : i32 to index
      %swap3A_382 = arith.constant 0 : index
      %swap3A_383 = vector.load %arg8[%swap3A_381, %swap3A_382] : memref<4096x8xf32, #tpu.memory_space<vmem>>, vector<512x8xf32>
      tpu.vector_store %arg8[%swap3A_381, %swap3A_382], %add3A_378 {strides = array<i32>} : memref<4096x8xf32, #tpu.memory_space<vmem>>, vector<512x8xf32>,
      %slice3A_384 = vector.extract_strided_slice %add3A_378 {offsets = [511, 0], sizes = [1, 8], strides = [1, 1]} : vector<512x8xf32> to vector<1x8xf32>
      scf.yield %slice3A_384 : vector<1x8xf32>
    }
    %scan3A_44 = arith.constant 8 : i32
    %get3A_45 = arith.constant 0 : index
    %get3A_46 = arith.constant 0 : index
    %get3A_47 = vector.load %arg8[%get3A_45, %get3A_46] : memref<4096x8xf32, #tpu.memory_space<vmem>>, vector<4096x8xf32>
    %mul3A = arith.mulf %get3A_47, %convert_element_type3A_24 : vector<4096x8xf32>
    %reduce_sum3A_48 = arith.constant dense<0.000000e+00> : vector<4096xf32>
    %reduce_sum3A_49 = vector.multi_reduction <add>, %mul3A, %reduce_sum3A_48 [1] : vector<4096x8xf32> to vector<4096xf32>
    %broadcast_in_dim3A_50 = vector.shape_cast %reduce_sum3A_49 : vector<4096xf32> to vector<4096x1xf32>
    %le3A = arith.constant 6.400000e+02 : f32
    %le3A_51 = vector.broadcast %le3A : f32 to vector<4096x1xf32>
    %le3A_52 = arith.cmpf ole, %broadcast_in_dim3A_50, %le3A_51 : vector<4096x1xf32>
    %jit3A_53 = arith.constant -1 : i32
    %broadcast_in_dim3A_54 = vector.broadcast %jit3A_53 : i32 to vector<4096x1xi32>
    %select_n3A_55 = arith.select %le3A_52, %broadcast_in_dim3A_21, %broadcast_in_dim3A_54 : vector<4096x1xi1>, vector<4096x1xi32>
    %slice3A_56 = vector.extract_strided_slice %select_n3A_55 {offsets = [0, 0], sizes = [2048, 1], strides = [1, 1]} : vector<4096x1xi32> to vector<2048x1xi32>
    %slice3A_57 = vector.extract_strided_slice %select_n3A_55 {offsets = [2048, 0], sizes = [2048, 1], strides = [1, 1]} : vector<4096x1xi32> to vector<2048x1xi32>
    %max3A = arith.maxsi %slice3A_56, %slice3A_57 : vector<2048x1xi32>
    %iota3A_58 = tpu.iota {dimensions = array<i32: 1>} : vector<1x8xi32>
    %gt3A = arith.constant 0.000000e+00 : f32
    %gt3A_59 = vector.broadcast %gt3A : f32 to vector<1x8xf32>
    %gt3A_60 = arith.cmpf ogt, %broadcast_in_dim3A_27, %gt3A_59 : vector<1x8xf32>
    %jit3A_61 = arith.constant -1 : i32
    %broadcast_in_dim3A_62 = vector.broadcast %jit3A_61 : i32 to vector<1x8xi32>
    %select_n3A_63 = arith.select %gt3A_60, %iota3A_58, %broadcast_in_dim3A_62 : vector<1x8xi1>, vector<1x8xi32>
    %reduce_max3A_64 = vector.shape_cast %select_n3A_63 : vector<1x8xi32> to vector<1x1x8xi32>
    %reduce_max3A_65 = arith.constant dense<-2147483648> : vector<1xi32>
    %reduce_max3A_66 = vector.multi_reduction <maxsi>, %reduce_max3A_64, %reduce_max3A_65 [1, 2] : vector<1x1x8xi32> to vector<1xi32>
    %reduce_max3A_67 = vector.shape_cast %reduce_max3A_66 : vector<1xi32> to vector<1x1x1xi32>
    %reduce_max3A_68 = vector.extract %reduce_max3A_67[0, 0, 0] : i32 from vector<1x1x1xi32>
    %gt3A_69 = arith.constant 0.000000e+00 : f32
    %gt3A_70 = vector.broadcast %gt3A_69 : f32 to vector<1x8xf32>
    %gt3A_71 = arith.cmpf ogt, %broadcast_in_dim3A_31, %gt3A_70 : vector<1x8xf32>
    %lt3A = arith.constant 6.400000e+02 : f32
    %lt3A_72 = vector.broadcast %lt3A : f32 to vector<1x8xf32>
    %lt3A_73 = arith.cmpf olt, %broadcast_in_dim3A_27, %lt3A_72 : vector<1x8xf32>
    %and3A = arith.andi %gt3A_71, %lt3A_73 : vector<1x8xi1>
    %jit3A_74 = arith.constant -1 : i32
    %broadcast_in_dim3A_75 = vector.broadcast %jit3A_74 : i32 to vector<1x8xi32>
    %select_n3A_76 = arith.select %and3A, %iota3A_58, %broadcast_in_dim3A_75 : vector<1x8xi1>, vector<1x8xi32>
    %reduce_max3A_77 = vector.shape_cast %select_n3A_76 : vector<1x8xi32> to vector<1x1x8xi32>
    %reduce_max3A_78 = arith.constant dense<-2147483648> : vector<1xi32>
    %reduce_max3A_79 = vector.multi_reduction <maxsi>, %reduce_max3A_77, %reduce_max3A_78 [1, 2] : vector<1x1x8xi32> to vector<1xi32>
    %reduce_max3A_80 = vector.shape_cast %reduce_max3A_79 : vector<1xi32> to vector<1x1x1xi32>
    %reduce_max3A_81 = vector.extract %reduce_max3A_80[0, 0, 0] : i32 from vector<1x1x1xi32>
    %iota3A_82 = tpu.iota {dimensions = array<i32: 0>} : vector<2048x1xi32>
    %eq3A_83 = arith.constant 0 : i32
    %eq3A_84 = vector.broadcast %eq3A_83 : i32 to vector<2048x1xi32>
    %eq3A_85 = arith.cmpi eq, %iota3A_82, %eq3A_84 : vector<2048x1xi32>
    %max3A_86 = vector.broadcast %reduce_max3A_68 : i32 to vector<2048x1xi32>
    %max3A_87 = arith.maxsi %max3A, %max3A_86 : vector<2048x1xi32>
    %select_n3A_88 = arith.select %eq3A_85, %max3A_87, %max3A : vector<2048x1xi1>, vector<2048x1xi32>
    %eq3A_89 = arith.constant 1 : i32
    %eq3A_90 = vector.broadcast %eq3A_89 : i32 to vector<2048x1xi32>
    %eq3A_91 = arith.cmpi eq, %iota3A_82, %eq3A_90 : vector<2048x1xi32>
    %max3A_92 = vector.broadcast %reduce_max3A_81 : i32 to vector<2048x1xi32>
    %max3A_93 = arith.maxsi %select_n3A_88, %max3A_92 : vector<2048x1xi32>
    %select_n3A_94 = arith.select %eq3A_91, %max3A_93, %select_n3A_88 : vector<2048x1xi1>, vector<2048x1xi32>
    %iota3A_95 = tpu.iota {dimensions = array<i32: 1>} : vector<2048x8xi32>
    %eq3A_96 = vector.broadcast %select_n3A_94 : vector<2048x1xi32> to vector<2048x8xi32>
    %eq3A_97 = arith.cmpi eq, %eq3A_96, %iota3A_95 : vector<2048x8xi32>
    %convert_element_type3A_98 = arith.extui %eq3A_97 : vector<2048x8xi1> to vector<2048x8xi32>
    %convert_element_type3A_99 = arith.sitofp %convert_element_type3A_98 : vector<2048x8xi32> to vector<2048x8xf32>
    %reduce_sum3A_100 = arith.constant dense<0.000000e+00> : vector<8xf32>
    %reduce_sum3A_101 = vector.multi_reduction <add>, %convert_element_type3A_99, %reduce_sum3A_100 [0] : vector<2048x8xf32> to vector<8xf32>
    %broadcast_in_dim3A_102 = vector.shape_cast %reduce_sum3A_101 : vector<8xf32> to vector<1x8xf32>
    %convert_element_type3A_103 = arith.fptosi %broadcast_in_dim3A_102 : vector<1x8xf32> to vector<1x8xi32>
    %add3A_104 = arith.constant 127 : i32
    %add3A_105 = vector.broadcast %add3A_104 : i32 to vector<1x8xi32>
    %add3A_106 = arith.addi %convert_element_type3A_103, %add3A_105 : vector<1x8xi32>
    %jit3A_107 = arith.constant 128 : i32
    %div3A_108 = vector.broadcast %jit3A_107 : i32 to vector<1x8xi32>
    %div3A_109 = arith.divsi %add3A_106, %div3A_108 : vector<1x8xi32>
    %sign3A = arith.constant 0 : i32
    %sign3A_110 = vector.broadcast %sign3A : i32 to vector<1x8xi32>
    %sign3A_111 = arith.cmpi sgt, %add3A_106, %sign3A_110 : vector<1x8xi32>
    %sign3A_112 = arith.extui %sign3A_111 : vector<1x8xi1> to vector<1x8xi32>
    %sign3A_113 = arith.constant 0 : i32
    %sign3A_114 = vector.broadcast %sign3A_113 : i32 to vector<1x8xi32>
    %sign3A_115 = arith.cmpi slt, %add3A_106, %sign3A_114 : vector<1x8xi32>
    %sign3A_116 = arith.extui %sign3A_115 : vector<1x8xi1> to vector<1x8xi32>
    %sign3A_117 = arith.subi %sign3A_112, %sign3A_116 : vector<1x8xi32>
    %sign3A_118 = arith.constant 0 : i32
    %sign3A_119 = arith.cmpi sgt, %jit3A_107, %sign3A_118 : i32
    %sign3A_120 = arith.extui %sign3A_119 : i1 to i32
    %sign3A_121 = arith.constant 0 : i32
    %sign3A_122 = arith.cmpi slt, %jit3A_107, %sign3A_121 : i32
    %sign3A_123 = arith.extui %sign3A_122 : i1 to i32
    %sign3A_124 = arith.subi %sign3A_120, %sign3A_123 : i32
    %ne3A = vector.broadcast %sign3A_124 : i32 to vector<1x8xi32>
    %ne3A_125 = arith.cmpi ne, %sign3A_117, %ne3A : vector<1x8xi32>
    %rem3A = vector.broadcast %jit3A_107 : i32 to vector<1x8xi32>
    %rem3A_126 = arith.remsi %add3A_106, %rem3A : vector<1x8xi32>
    %ne3A_127 = arith.constant 0 : i32
    %ne3A_128 = vector.broadcast %ne3A_127 : i32 to vector<1x8xi32>
    %ne3A_129 = arith.cmpi ne, %rem3A_126, %ne3A_128 : vector<1x8xi32>
    %and3A_130 = arith.andi %ne3A_125, %ne3A_129 : vector<1x8xi1>
    %sub3A_131 = arith.constant 1 : i32
    %sub3A_132 = vector.broadcast %sub3A_131 : i32 to vector<1x8xi32>
    %sub3A_133 = arith.subi %div3A_109, %sub3A_132 : vector<1x8xi32>
    %select_n3A_134 = arith.select %and3A_130, %sub3A_133, %div3A_109 : vector<1x8xi1>, vector<1x8xi32>
    %mul3A_135 = arith.constant 128 : i32
    %mul3A_136 = vector.broadcast %mul3A_135 : i32 to vector<1x8xi32>
    %mul3A_137 = arith.muli %select_n3A_134, %mul3A_136 : vector<1x8xi32>
    %iota3A_138 = tpu.iota {dimensions = array<i32: 0>} : vector<8x8xi32>
    %iota3A_139 = tpu.iota {dimensions = array<i32: 1>} : vector<8x8xi32>
    %lt3A_140 = arith.cmpi slt, %iota3A_138, %iota3A_139 : vector<8x8xi32>
    %convert_element_type3A_141 = arith.extui %lt3A_140 : vector<8x8xi1> to vector<8x8xi32>
    %convert_element_type3A_142 = arith.sitofp %convert_element_type3A_141 : vector<8x8xi32> to vector<8x8xf32>
    %convert_element_type3A_143 = arith.sitofp %mul3A_137 : vector<1x8xi32> to vector<1x8xf32>
    %dot_general3A_144 = arith.constant dense<0.000000e+00> : vector<1x8xf32>
    %dot_general3A_145 = tpu.matmul %convert_element_type3A_143, %convert_element_type3A_142, %dot_general3A_144 {dimension_numbers = #tpu.dot_dimension_numbers<[1], [0], [0], [1], [0, 0, 1, 1], [], []>, transpose_lhs_hint = false} : vector<1x8xf32>, vector<8x8xf32>, vector<1x8xf32> -> vector<1x8xf32>
    %convert_element_type3A_146 = arith.fptosi %dot_general3A_145 : vector<1x8xf32> to vector<1x8xi32>
    %swap3A_147 = arith.constant 0 : index
    %swap3A_148 = arith.constant 0 : index
    %swap3A_149 = vector.load %arg7[%swap3A_147, %swap3A_148] : memref<4096x8xf32, #tpu.memory_space<vmem>>, vector<2048x8xf32>
    tpu.vector_store %arg7[%swap3A_147, %swap3A_148], %convert_element_type3A_99 {strides = array<i32>} : memref<4096x8xf32, #tpu.memory_space<vmem>>, vector<2048x8xf32>,
    %broadcast_in_dim3A_150 = arith.constant 0.000000e+00 : f32
    %broadcast_in_dim3A_151 = vector.broadcast %broadcast_in_dim3A_150 : f32 to vector<1x8xf32>
    %scan3A_152 = arith.constant 0 : i32
    %scan3A_153 = arith.constant 4 : i32
    %scan3A_154 = arith.addi %scan3A_152, %scan3A_153 : i32
    %scan3A_155 = arith.constant 1 : i32
    %scan3A_156 = scf.for %scan3A_368 = %scan3A_152 to %scan3A_154 step %scan3A_155 iter_args(%scan3A_369 = %broadcast_in_dim3A_151) -> (vector<1x8xf32>)  : i32 {
      %mul3A_370 = arith.constant 512 : i32
      %mul3A_371 = arith.muli %scan3A_368, %mul3A_370 : i32
      %get3A_372 = arith.index_cast %mul3A_371 : i32 to index
      %get3A_373 = arith.constant 0 : index
      %get3A_374 = vector.load %arg7[%get3A_372, %get3A_373] : memref<4096x8xf32, #tpu.memory_space<vmem>>, vector<512x8xf32>
      %dot_general3A_375 = arith.constant dense<0.000000e+00> : vector<512x8xf32>
      %dot_general3A_376 = tpu.matmul %convert_element_type3A_35, %get3A_374, %dot_general3A_375 {dimension_numbers = #tpu.dot_dimension_numbers<[1], [0], [0], [1], [0, 0, 1, 1], [], []>, transpose_lhs_hint = false} : vector<512x512xf32>, vector<512x8xf32>, vector<512x8xf32> -> vector<512x8xf32>
      %add3A_377 = vector.broadcast %scan3A_369 : vector<1x8xf32> to vector<512x8xf32>
      %add3A_378 = arith.addf %dot_general3A_376, %add3A_377 : vector<512x8xf32>
      %mul3A_379 = arith.constant 512 : i32
      %mul3A_380 = arith.muli %scan3A_368, %mul3A_379 : i32
      %swap3A_381 = arith.index_cast %mul3A_380 : i32 to index
      %swap3A_382 = arith.constant 0 : index
      %swap3A_383 = vector.load %arg8[%swap3A_381, %swap3A_382] : memref<4096x8xf32, #tpu.memory_space<vmem>>, vector<512x8xf32>
      tpu.vector_store %arg8[%swap3A_381, %swap3A_382], %add3A_378 {strides = array<i32>} : memref<4096x8xf32, #tpu.memory_space<vmem>>, vector<512x8xf32>,
      %slice3A_384 = vector.extract_strided_slice %add3A_378 {offsets = [511, 0], sizes = [1, 8], strides = [1, 1]} : vector<512x8xf32> to vector<1x8xf32>
      scf.yield %slice3A_384 : vector<1x8xf32>
    }
    %scan3A_157 = arith.constant 4 : i32
    %get3A_158 = arith.constant 0 : index
    %get3A_159 = arith.constant 0 : index
    %get3A_160 = vector.load %arg8[%get3A_158, %get3A_159] : memref<4096x8xf32, #tpu.memory_space<vmem>>, vector<2048x8xf32>
    %mul3A_161 = arith.mulf %get3A_160, %convert_element_type3A_99 : vector<2048x8xf32>
    %reduce_sum3A_162 = arith.constant dense<0.000000e+00> : vector<2048xf32>
    %reduce_sum3A_163 = vector.multi_reduction <add>, %mul3A_161, %reduce_sum3A_162 [1] : vector<2048x8xf32> to vector<2048xf32>
    %broadcast_in_dim3A_164 = vector.shape_cast %reduce_sum3A_163 : vector<2048xf32> to vector<2048x1xf32>
    %convert_element_type3A_165 = arith.fptosi %broadcast_in_dim3A_164 : vector<2048x1xf32> to vector<2048x1xi32>
    %broadcast_in_dim3A_166 = vector.shape_cast %convert_element_type3A_146 : vector<1x8xi32> to vector<1x8xi32>
    %broadcast_in_dim3A_167 = vector.broadcast %broadcast_in_dim3A_166 : vector<1x8xi32> to vector<2048x8xi32>
    %jit3A_168 = arith.constant 0 : i32
    %broadcast_in_dim3A_169 = vector.broadcast %jit3A_168 : i32 to vector<2048x8xi32>
    %select_n3A_170 = arith.select %eq3A_97, %broadcast_in_dim3A_167, %broadcast_in_dim3A_169 : vector<2048x8xi1>, vector<2048x8xi32>
    %reduce_sum3A_171 = arith.constant dense<0> : vector<2048xi32>
    %reduce_sum3A_172 = vector.multi_reduction <add>, %select_n3A_170, %reduce_sum3A_171 [1] : vector<2048x8xi32> to vector<2048xi32>
    %broadcast_in_dim3A_173 = vector.shape_cast %reduce_sum3A_172 : vector<2048xi32> to vector<2048x1xi32>
    %ge3A_174 = arith.constant 0 : i32
    %ge3A_175 = vector.broadcast %ge3A_174 : i32 to vector<2048x1xi32>
    %ge3A_176 = arith.cmpi sge, %select_n3A_94, %ge3A_175 : vector<2048x1xi32>
    %add3A_177 = arith.addi %broadcast_in_dim3A_173, %convert_element_type3A_165 : vector<2048x1xi32>
    %sub3A_178 = arith.constant 1 : i32
    %sub3A_179 = vector.broadcast %sub3A_178 : i32 to vector<2048x1xi32>
    %sub3A_180 = arith.subi %add3A_177, %sub3A_179 : vector<2048x1xi32>
    %jit3A_181 = arith.constant 3072 : i32
    %broadcast_in_dim3A_182 = vector.broadcast %jit3A_181 : i32 to vector<2048x1xi32>
    %select_n3A_183 = arith.select %ge3A_176, %sub3A_180, %broadcast_in_dim3A_182 : vector<2048x1xi1>, vector<2048x1xi32>
    %swap3A_184 = arith.constant 0 : index
    %swap3A_185 = arith.constant 0 : index
    %swap3A_186 = vector.load %arg4[%swap3A_184, %swap3A_185] : memref<2048x1xi32, #tpu.memory_space<vmem>>, vector<2048x1xi32>
    tpu.vector_store %arg4[%swap3A_184, %swap3A_185], %select_n3A_183 {strides = array<i32>} : memref<2048x1xi32, #tpu.memory_space<vmem>>, vector<2048x1xi32>,
    %iota3A_187 = tpu.iota {dimensions = array<i32: 0>} : vector<2048x1xi32>
    %jit3A_188 = arith.constant -1 : i32
    %broadcast_in_dim3A_189 = vector.broadcast %jit3A_188 : i32 to vector<2048x1xi32>
    %select_n3A_190 = arith.select %ge3A_176, %sub3A_180, %broadcast_in_dim3A_189 : vector<2048x1xi1>, vector<2048x1xi32>
    %iota3A_191 = tpu.iota {dimensions = array<i32: 1>} : vector<2048x768xi32>
    %add3A_192 = arith.constant 0 : i32
    %add3A_193 = vector.broadcast %add3A_192 : i32 to vector<2048x768xi32>
    %add3A_194 = arith.addi %add3A_193, %iota3A_191 : vector<2048x768xi32>
    %eq3A_195 = vector.broadcast %select_n3A_190 : vector<2048x1xi32> to vector<2048x768xi32>
    %eq3A_196 = arith.cmpi eq, %eq3A_195, %add3A_194 : vector<2048x768xi32>
    %broadcast_in_dim3A_197 = vector.shape_cast %iota3A_187 : vector<2048x1xi32> to vector<2048x1xi32>
    %broadcast_in_dim3A_198 = vector.broadcast %broadcast_in_dim3A_197 : vector<2048x1xi32> to vector<2048x768xi32>
    %jit3A_199 = arith.constant 0 : i32
    %broadcast_in_dim3A_200 = vector.broadcast %jit3A_199 : i32 to vector<2048x768xi32>
    %select_n3A_201 = arith.select %eq3A_196, %broadcast_in_dim3A_198, %broadcast_in_dim3A_200 : vector<2048x768xi1>, vector<2048x768xi32>
    %reduce_sum3A_202 = arith.constant dense<0> : vector<768xi32>
    %reduce_sum3A_203 = vector.multi_reduction <add>, %select_n3A_201, %reduce_sum3A_202 [0] : vector<2048x768xi32> to vector<768xi32>
    %broadcast_in_dim3A_204 = vector.shape_cast %reduce_sum3A_203 : vector<768xi32> to vector<1x768xi32>
    %convert_element_type3A_205 = arith.extui %eq3A_196 : vector<2048x768xi1> to vector<2048x768xi32>
    %reduce_sum3A_206 = arith.constant dense<0> : vector<768xi32>
    %reduce_sum3A_207 = vector.multi_reduction <add>, %convert_element_type3A_205, %reduce_sum3A_206 [0] : vector<2048x768xi32> to vector<768xi32>
    %broadcast_in_dim3A_208 = vector.shape_cast %reduce_sum3A_207 : vector<768xi32> to vector<1x768xi32>
    %iota3A_209 = tpu.iota {dimensions = array<i32: 1>} : vector<1x768xi32>
    %add3A_210 = arith.constant 0 : i32
    %add3A_211 = vector.broadcast %add3A_210 : i32 to vector<1x768xi32>
    %add3A_212 = arith.addi %add3A_211, %iota3A_209 : vector<1x768xi32>
    %gt3A_213 = arith.constant 0 : i32
    %gt3A_214 = vector.broadcast %gt3A_213 : i32 to vector<1x768xi32>
    %gt3A_215 = arith.cmpi sgt, %broadcast_in_dim3A_208, %gt3A_214 : vector<1x768xi32>
    %select_n3A_216 = arith.select %gt3A_215, %broadcast_in_dim3A_204, %add3A_212 : vector<1x768xi1>, vector<1x768xi32>
    %swap3A_217 = arith.constant 0 : index
    %swap3A_218 = arith.constant 0 : index
    %swap3A_219 = vector.load %arg3[%swap3A_217, %swap3A_218] : memref<1x3072xi32, #tpu.memory_space<vmem>>, vector<1x768xi32>
    tpu.vector_store %arg3[%swap3A_217, %swap3A_218], %select_n3A_216 {strides = array<i32>} : memref<1x3072xi32, #tpu.memory_space<vmem>>, vector<1x768xi32>,
    %iota3A_220 = tpu.iota {dimensions = array<i32: 1>} : vector<2048x768xi32>
    %add3A_221 = arith.constant 768 : i32
    %add3A_222 = vector.broadcast %add3A_221 : i32 to vector<2048x768xi32>
    %add3A_223 = arith.addi %add3A_222, %iota3A_220 : vector<2048x768xi32>
    %eq3A_224 = vector.broadcast %select_n3A_190 : vector<2048x1xi32> to vector<2048x768xi32>
    %eq3A_225 = arith.cmpi eq, %eq3A_224, %add3A_223 : vector<2048x768xi32>
    %broadcast_in_dim3A_226 = vector.shape_cast %iota3A_187 : vector<2048x1xi32> to vector<2048x1xi32>
    %broadcast_in_dim3A_227 = vector.broadcast %broadcast_in_dim3A_226 : vector<2048x1xi32> to vector<2048x768xi32>
    %jit3A_228 = arith.constant 0 : i32
    %broadcast_in_dim3A_229 = vector.broadcast %jit3A_228 : i32 to vector<2048x768xi32>
    %select_n3A_230 = arith.select %eq3A_225, %broadcast_in_dim3A_227, %broadcast_in_dim3A_229 : vector<2048x768xi1>, vector<2048x768xi32>
    %reduce_sum3A_231 = arith.constant dense<0> : vector<768xi32>
    %reduce_sum3A_232 = vector.multi_reduction <add>, %select_n3A_230, %reduce_sum3A_231 [0] : vector<2048x768xi32> to vector<768xi32>
    %broadcast_in_dim3A_233 = vector.shape_cast %reduce_sum3A_232 : vector<768xi32> to vector<1x768xi32>
    %convert_element_type3A_234 = arith.extui %eq3A_225 : vector<2048x768xi1> to vector<2048x768xi32>
    %reduce_sum3A_235 = arith.constant dense<0> : vector<768xi32>
    %reduce_sum3A_236 = vector.multi_reduction <add>, %convert_element_type3A_234, %reduce_sum3A_235 [0] : vector<2048x768xi32> to vector<768xi32>
    %broadcast_in_dim3A_237 = vector.shape_cast %reduce_sum3A_236 : vector<768xi32> to vector<1x768xi32>
    %iota3A_238 = tpu.iota {dimensions = array<i32: 1>} : vector<1x768xi32>
    %add3A_239 = arith.constant 768 : i32
    %add3A_240 = vector.broadcast %add3A_239 : i32 to vector<1x768xi32>
    %add3A_241 = arith.addi %add3A_240, %iota3A_238 : vector<1x768xi32>
    %gt3A_242 = arith.constant 0 : i32
    %gt3A_243 = vector.broadcast %gt3A_242 : i32 to vector<1x768xi32>
    %gt3A_244 = arith.cmpi sgt, %broadcast_in_dim3A_237, %gt3A_243 : vector<1x768xi32>
    %select_n3A_245 = arith.select %gt3A_244, %broadcast_in_dim3A_233, %add3A_241 : vector<1x768xi1>, vector<1x768xi32>
    %swap3A_246 = arith.constant 0 : index
    %swap3A_247 = arith.constant 768 : index
    %swap3A_248 = vector.load %arg3[%swap3A_246, %swap3A_247] : memref<1x3072xi32, #tpu.memory_space<vmem>>, vector<1x768xi32>
    tpu.vector_store %arg3[%swap3A_246, %swap3A_247], %select_n3A_245 {strides = array<i32>} : memref<1x3072xi32, #tpu.memory_space<vmem>>, vector<1x768xi32>,
    %iota3A_249 = tpu.iota {dimensions = array<i32: 1>} : vector<2048x768xi32>
    %add3A_250 = arith.constant 1536 : i32
    %add3A_251 = vector.broadcast %add3A_250 : i32 to vector<2048x768xi32>
    %add3A_252 = arith.addi %add3A_251, %iota3A_249 : vector<2048x768xi32>
    %eq3A_253 = vector.broadcast %select_n3A_190 : vector<2048x1xi32> to vector<2048x768xi32>
    %eq3A_254 = arith.cmpi eq, %eq3A_253, %add3A_252 : vector<2048x768xi32>
    %broadcast_in_dim3A_255 = vector.shape_cast %iota3A_187 : vector<2048x1xi32> to vector<2048x1xi32>
    %broadcast_in_dim3A_256 = vector.broadcast %broadcast_in_dim3A_255 : vector<2048x1xi32> to vector<2048x768xi32>
    %jit3A_257 = arith.constant 0 : i32
    %broadcast_in_dim3A_258 = vector.broadcast %jit3A_257 : i32 to vector<2048x768xi32>
    %select_n3A_259 = arith.select %eq3A_254, %broadcast_in_dim3A_256, %broadcast_in_dim3A_258 : vector<2048x768xi1>, vector<2048x768xi32>
    %reduce_sum3A_260 = arith.constant dense<0> : vector<768xi32>
    %reduce_sum3A_261 = vector.multi_reduction <add>, %select_n3A_259, %reduce_sum3A_260 [0] : vector<2048x768xi32> to vector<768xi32>
    %broadcast_in_dim3A_262 = vector.shape_cast %reduce_sum3A_261 : vector<768xi32> to vector<1x768xi32>
    %convert_element_type3A_263 = arith.extui %eq3A_254 : vector<2048x768xi1> to vector<2048x768xi32>
    %reduce_sum3A_264 = arith.constant dense<0> : vector<768xi32>
    %reduce_sum3A_265 = vector.multi_reduction <add>, %convert_element_type3A_263, %reduce_sum3A_264 [0] : vector<2048x768xi32> to vector<768xi32>
    %broadcast_in_dim3A_266 = vector.shape_cast %reduce_sum3A_265 : vector<768xi32> to vector<1x768xi32>
    %iota3A_267 = tpu.iota {dimensions = array<i32: 1>} : vector<1x768xi32>
    %add3A_268 = arith.constant 1536 : i32
    %add3A_269 = vector.broadcast %add3A_268 : i32 to vector<1x768xi32>
    %add3A_270 = arith.addi %add3A_269, %iota3A_267 : vector<1x768xi32>
    %gt3A_271 = arith.constant 0 : i32
    %gt3A_272 = vector.broadcast %gt3A_271 : i32 to vector<1x768xi32>
    %gt3A_273 = arith.cmpi sgt, %broadcast_in_dim3A_266, %gt3A_272 : vector<1x768xi32>
    %select_n3A_274 = arith.select %gt3A_273, %broadcast_in_dim3A_262, %add3A_270 : vector<1x768xi1>, vector<1x768xi32>
    %swap3A_275 = arith.constant 0 : index
    %swap3A_276 = arith.constant 1536 : index
    %swap3A_277 = vector.load %arg3[%swap3A_275, %swap3A_276] : memref<1x3072xi32, #tpu.memory_space<vmem>>, vector<1x768xi32>
    tpu.vector_store %arg3[%swap3A_275, %swap3A_276], %select_n3A_274 {strides = array<i32>} : memref<1x3072xi32, #tpu.memory_space<vmem>>, vector<1x768xi32>,
    %iota3A_278 = tpu.iota {dimensions = array<i32: 1>} : vector<2048x768xi32>
    %add3A_279 = arith.constant 2304 : i32
    %add3A_280 = vector.broadcast %add3A_279 : i32 to vector<2048x768xi32>
    %add3A_281 = arith.addi %add3A_280, %iota3A_278 : vector<2048x768xi32>
    %eq3A_282 = vector.broadcast %select_n3A_190 : vector<2048x1xi32> to vector<2048x768xi32>
    %eq3A_283 = arith.cmpi eq, %eq3A_282, %add3A_281 : vector<2048x768xi32>
    %broadcast_in_dim3A_284 = vector.shape_cast %iota3A_187 : vector<2048x1xi32> to vector<2048x1xi32>
    %broadcast_in_dim3A_285 = vector.broadcast %broadcast_in_dim3A_284 : vector<2048x1xi32> to vector<2048x768xi32>
    %jit3A_286 = arith.constant 0 : i32
    %broadcast_in_dim3A_287 = vector.broadcast %jit3A_286 : i32 to vector<2048x768xi32>
    %select_n3A_288 = arith.select %eq3A_283, %broadcast_in_dim3A_285, %broadcast_in_dim3A_287 : vector<2048x768xi1>, vector<2048x768xi32>
    %reduce_sum3A_289 = arith.constant dense<0> : vector<768xi32>
    %reduce_sum3A_290 = vector.multi_reduction <add>, %select_n3A_288, %reduce_sum3A_289 [0] : vector<2048x768xi32> to vector<768xi32>
    %broadcast_in_dim3A_291 = vector.shape_cast %reduce_sum3A_290 : vector<768xi32> to vector<1x768xi32>
    %convert_element_type3A_292 = arith.extui %eq3A_283 : vector<2048x768xi1> to vector<2048x768xi32>
    %reduce_sum3A_293 = arith.constant dense<0> : vector<768xi32>
    %reduce_sum3A_294 = vector.multi_reduction <add>, %convert_element_type3A_292, %reduce_sum3A_293 [0] : vector<2048x768xi32> to vector<768xi32>
    %broadcast_in_dim3A_295 = vector.shape_cast %reduce_sum3A_294 : vector<768xi32> to vector<1x768xi32>
    %iota3A_296 = tpu.iota {dimensions = array<i32: 1>} : vector<1x768xi32>
    %add3A_297 = arith.constant 2304 : i32
    %add3A_298 = vector.broadcast %add3A_297 : i32 to vector<1x768xi32>
    %add3A_299 = arith.addi %add3A_298, %iota3A_296 : vector<1x768xi32>
    %gt3A_300 = arith.constant 0 : i32
    %gt3A_301 = vector.broadcast %gt3A_300 : i32 to vector<1x768xi32>
    %gt3A_302 = arith.cmpi sgt, %broadcast_in_dim3A_295, %gt3A_301 : vector<1x768xi32>
    %select_n3A_303 = arith.select %gt3A_302, %broadcast_in_dim3A_291, %add3A_299 : vector<1x768xi1>, vector<1x768xi32>
    %swap3A_304 = arith.constant 0 : index
    %swap3A_305 = arith.constant 2304 : index
    %swap3A_306 = vector.load %arg3[%swap3A_304, %swap3A_305] : memref<1x3072xi32, #tpu.memory_space<vmem>>, vector<1x768xi32>
    tpu.vector_store %arg3[%swap3A_304, %swap3A_305], %select_n3A_303 {strides = array<i32>} : memref<1x3072xi32, #tpu.memory_space<vmem>>, vector<1x768xi32>,
    %iota3A_307 = tpu.iota {dimensions = array<i32: 0>} : vector<24x1xi32>
    %mul3A_308 = arith.constant 128 : i32
    %mul3A_309 = vector.broadcast %mul3A_308 : i32 to vector<24x1xi32>
    %mul3A_310 = arith.muli %mul3A_309, %iota3A_307 : vector<24x1xi32>
    %broadcast_in_dim3A_311 = vector.shape_cast %convert_element_type3A_146 : vector<1x8xi32> to vector<1x8xi32>
    %broadcast_in_dim3A_312 = vector.broadcast %broadcast_in_dim3A_311 : vector<1x8xi32> to vector<24x8xi32>
    %broadcast_in_dim3A_313 = vector.shape_cast %mul3A_137 : vector<1x8xi32> to vector<1x8xi32>
    %broadcast_in_dim3A_314 = vector.broadcast %broadcast_in_dim3A_313 : vector<1x8xi32> to vector<24x8xi32>
    %ge3A_315 = vector.broadcast %mul3A_310 : vector<24x1xi32> to vector<24x8xi32>
    %ge3A_316 = arith.cmpi sge, %ge3A_315, %broadcast_in_dim3A_312 : vector<24x8xi32>
    %add3A_317 = arith.addi %broadcast_in_dim3A_312, %broadcast_in_dim3A_314 : vector<24x8xi32>
    %lt3A_318 = vector.broadcast %mul3A_310 : vector<24x1xi32> to vector<24x8xi32>
    %lt3A_319 = arith.cmpi slt, %lt3A_318, %add3A_317 : vector<24x8xi32>
    %and3A_320 = arith.andi %ge3A_316, %lt3A_319 : vector<24x8xi1>
    %iota3A_321 = tpu.iota {dimensions = array<i32: 1>} : vector<24x8xi32>
    %jit3A_322 = arith.constant 0 : i32
    %broadcast_in_dim3A_323 = vector.broadcast %jit3A_322 : i32 to vector<24x8xi32>
    %select_n3A_324 = arith.select %and3A_320, %iota3A_321, %broadcast_in_dim3A_323 : vector<24x8xi1>, vector<24x8xi32>
    %reduce_sum3A_325 = arith.constant dense<0> : vector<24xi32>
    %reduce_sum3A_326 = vector.multi_reduction <add>, %select_n3A_324, %reduce_sum3A_325 [1] : vector<24x8xi32> to vector<24xi32>
    %broadcast_in_dim3A_327 = vector.shape_cast %reduce_sum3A_326 : vector<24xi32> to vector<24x1xi32>
    %gt3A_328 = arith.constant 0 : i32
    %gt3A_329 = vector.broadcast %gt3A_328 : i32 to vector<1x8xi32>
    %gt3A_330 = arith.cmpi sgt, %mul3A_137, %gt3A_329 : vector<1x8xi32>
    %jit3A_331 = arith.constant 0 : i32
    %broadcast_in_dim3A_332 = vector.broadcast %jit3A_331 : i32 to vector<1x8xi32>
    %select_n3A_333 = arith.select %gt3A_330, %iota3A_58, %broadcast_in_dim3A_332 : vector<1x8xi1>, vector<1x8xi32>
    %reduce_max3A_334 = vector.shape_cast %select_n3A_333 : vector<1x8xi32> to vector<1x1x8xi32>
    %reduce_max3A_335 = arith.constant dense<-2147483648> : vector<1xi32>
    %reduce_max3A_336 = vector.multi_reduction <maxsi>, %reduce_max3A_334, %reduce_max3A_335 [1, 2] : vector<1x1x8xi32> to vector<1xi32>
    %reduce_max3A_337 = vector.shape_cast %reduce_max3A_336 : vector<1xi32> to vector<1x1x1xi32>
    %reduce_max3A_338 = vector.extract %reduce_max3A_337[0, 0, 0] : i32 from vector<1x1x1xi32>
    %convert_element_type3A_339 = arith.extui %and3A_320 : vector<24x8xi1> to vector<24x8xi32>
    %reduce_sum3A_340 = arith.constant dense<0> : vector<24xi32>
    %reduce_sum3A_341 = vector.multi_reduction <add>, %convert_element_type3A_339, %reduce_sum3A_340 [1] : vector<24x8xi32> to vector<24xi32>
    %broadcast_in_dim3A_342 = vector.shape_cast %reduce_sum3A_341 : vector<24xi32> to vector<24x1xi32>
    %gt3A_343 = arith.constant 0 : i32
    %gt3A_344 = vector.broadcast %gt3A_343 : i32 to vector<24x1xi32>
    %gt3A_345 = arith.cmpi sgt, %broadcast_in_dim3A_342, %gt3A_344 : vector<24x1xi32>
    %broadcast_in_dim3A_346 = vector.broadcast %reduce_max3A_338 : i32 to vector<24x1xi32>
    %select_n3A_347 = arith.select %gt3A_345, %broadcast_in_dim3A_327, %broadcast_in_dim3A_346 : vector<24x1xi1>, vector<24x1xi32>
    %swap3A_348 = arith.constant 0 : index
    %swap3A_349 = arith.constant 0 : index
    %swap3A_350 = vector.load %arg5[%swap3A_348, %swap3A_349] : memref<24x1xi32, #tpu.memory_space<vmem>>, vector<24x1xi32>
    tpu.vector_store %arg5[%swap3A_348, %swap3A_349], %select_n3A_347 {strides = array<i32>} : memref<24x1xi32, #tpu.memory_space<vmem>>, vector<24x1xi32>,
    %add3A_351 = arith.addf %broadcast_in_dim3A_27, %broadcast_in_dim3A_31 : vector<1x8xf32>
    %mul3A_352 = arith.constant 2.44140625E-4 : f32
    %mul3A_353 = vector.broadcast %mul3A_352 : f32 to vector<1x8xf32>
    %mul3A_354 = arith.mulf %add3A_351, %mul3A_353 : vector<1x8xf32>
    %mul3A_355 = arith.constant 2.44140625E-4 : f32
    %mul3A_356 = vector.broadcast %mul3A_355 : f32 to vector<1x8xf32>
    %mul3A_357 = arith.mulf %broadcast_in_dim3A_17, %mul3A_356 : vector<1x8xf32>
    %mul3A_358 = arith.mulf %mul3A_357, %mul3A_354 : vector<1x8xf32>
    %reduce_sum3A_359 = arith.constant dense<0.000000e+00> : vector<1xf32>
    %reduce_sum3A_360 = vector.multi_reduction <add>, %mul3A_358, %reduce_sum3A_359 [1] : vector<1x8xf32> to vector<1xf32>
    %broadcast_in_dim3A_361 = vector.shape_cast %reduce_sum3A_360 : vector<1xf32> to vector<1x1xf32>
    %mul3A_362 = arith.constant 8.000000e+00 : f32
    %mul3A_363 = vector.broadcast %mul3A_362 : f32 to vector<1x1xf32>
    %mul3A_364 = arith.mulf %broadcast_in_dim3A_361, %mul3A_363 : vector<1x1xf32>
    %swap3A_365 = arith.constant 0 : index
    %swap3A_366 = arith.constant 0 : index
    %swap3A_367 = vector.load %arg6[%swap3A_365, %swap3A_366] : memref<1x1xf32, #tpu.memory_space<vmem>>, vector<1x1xf32>
    tpu.vector_store %arg6[%swap3A_365, %swap3A_366], %mul3A_364 {strides = array<i32>} : memref<1x1xf32, #tpu.memory_space<vmem>>, vector<1x1xf32>,
    return
  }
}

module attributes {stable_mosaic.version = 14 : i64} {
  func.func @_ffn_body(%arg0: i32, %arg1: memref<24xi32, #tpu.memory_space<smem>>, %arg2: memref<128x1024xf32, #tpu.memory_space<vmem>>, %arg3: memref<1x1024x1024xf32, #tpu.memory_space<vmem>>, %arg4: memref<1x1x1024xf32, #tpu.memory_space<vmem>>, %arg5: memref<1x1024x1024xf32, #tpu.memory_space<vmem>>, %arg6: memref<1x1x1024xf32, #tpu.memory_space<vmem>>, %arg7: memref<128x1024xf32, #tpu.memory_space<vmem>>) attributes {dimension_semantics = [#tpu.dimension_semantics<arbitrary>], iteration_bounds = array<i64: 25>, scalar_prefetch = 1 : i64, scratch_operands = 0 : i64, tpu.core_type = #tpu.core_type<tc>, window_params = [{transform_indices = @transform_0, window_bounds = array<i64: 128, 1024>}, {transform_indices = @transform_1, window_bounds = array<i64: 1, 1024, 1024>}, {transform_indices = @transform_2, window_bounds = array<i64: 1, 1, 1024>}, {transform_indices = @transform_3, window_bounds = array<i64: 1, 1024, 1024>}, {transform_indices = @transform_4, window_bounds = array<i64: 1, 1, 1024>}, {transform_indices = @transform_5, window_bounds = array<i64: 128, 1024>}]} {
    %eq3A = arith.constant 24 : i32
    %eq3A_0 = arith.cmpi eq, %arg0, %eq3A : i32
    %convert_element_type3A = arith.extui %eq3A_0 : i1 to i32
    %cond3A = arith.constant 0 : i32
    %cond3A_1 = arith.cmpi ne, %convert_element_type3A, %cond3A : i32
    scf.if %cond3A_1 {
      %broadcast_in_dim3A = arith.constant 0.000000e+00 : f32
      %broadcast_in_dim3A_6 = vector.broadcast %broadcast_in_dim3A : f32 to vector<128x1024xf32>
      %swap3A = arith.constant 0 : index
      %swap3A_7 = arith.constant 0 : index
      %swap3A_8 = vector.load %arg7[%swap3A, %swap3A_7] : memref<128x1024xf32, #tpu.memory_space<vmem>>, vector<128x1024xf32>
      tpu.vector_store %arg7[%swap3A, %swap3A_7], %broadcast_in_dim3A_6 {strides = array<i32>} : memref<128x1024xf32, #tpu.memory_space<vmem>>, vector<128x1024xf32>,
    } else {
    }
    %ne3A = arith.constant 24 : i32
    %ne3A_2 = arith.cmpi ne, %arg0, %ne3A : i32
    %convert_element_type3A_3 = arith.extui %ne3A_2 : i1 to i32
    %cond3A_4 = arith.constant 0 : i32
    %cond3A_5 = arith.cmpi ne, %convert_element_type3A_3, %cond3A_4 : i32
    scf.if %cond3A_5 {
      %get3A = arith.constant 0 : index
      %get3A_6 = arith.constant 0 : index
      %get3A_7 = vector.load %arg2[%get3A, %get3A_6] : memref<128x1024xf32, #tpu.memory_space<vmem>>, vector<128x1024xf32>
      %get3A_8 = arith.constant 0 : index
      %get3A_9 = arith.constant 0 : index
      %get3A_10 = arith.constant 0 : index
      %get3A_11 = vector.load %arg3[%get3A_8, %get3A_9, %get3A_10] : memref<1x1024x1024xf32, #tpu.memory_space<vmem>>, vector<1x1024x1024xf32>
      %get3A_12 = vector.shape_cast %get3A_11 : vector<1x1024x1024xf32> to vector<1024x1024xf32>
      %dot_general3A = arith.constant dense<0.000000e+00> : vector<128x1024xf32>
      %dot_general3A_13 = tpu.matmul %get3A_7, %get3A_12, %dot_general3A {dimension_numbers = #tpu.dot_dimension_numbers<[1], [0], [0], [1], [0, 0, 1, 1], [], []>, transpose_lhs_hint = false} : vector<128x1024xf32>, vector<1024x1024xf32>, vector<128x1024xf32> -> vector<128x1024xf32>
      %get3A_14 = arith.constant 0 : index
      %get3A_15 = arith.constant 0 : index
      %get3A_16 = arith.constant 0 : index
      %get3A_17 = vector.load %arg4[%get3A_14, %get3A_15, %get3A_16] : memref<1x1x1024xf32, #tpu.memory_space<vmem>>, vector<1x1x1024xf32>
      %get3A_18 = vector.shape_cast %get3A_17 : vector<1x1x1024xf32> to vector<1x1024xf32>
      %add3A = vector.broadcast %get3A_18 : vector<1x1024xf32> to vector<128x1024xf32>
      %add3A_19 = arith.addf %dot_general3A_13, %add3A : vector<128x1024xf32>
      %max3A = arith.constant 0.000000e+00 : f32
      %max3A_20 = vector.broadcast %max3A : f32 to vector<128x1024xf32>
      %max3A_21 = arith.maximumf %add3A_19, %max3A_20 : vector<128x1024xf32>
      %get3A_22 = arith.constant 0 : index
      %get3A_23 = arith.constant 0 : index
      %get3A_24 = arith.constant 0 : index
      %get3A_25 = vector.load %arg5[%get3A_22, %get3A_23, %get3A_24] : memref<1x1024x1024xf32, #tpu.memory_space<vmem>>, vector<1x1024x1024xf32>
      %get3A_26 = vector.shape_cast %get3A_25 : vector<1x1024x1024xf32> to vector<1024x1024xf32>
      %dot_general3A_27 = arith.constant dense<0.000000e+00> : vector<128x1024xf32>
      %dot_general3A_28 = tpu.matmul %max3A_21, %get3A_26, %dot_general3A_27 {dimension_numbers = #tpu.dot_dimension_numbers<[1], [0], [0], [1], [0, 0, 1, 1], [], []>, transpose_lhs_hint = false} : vector<128x1024xf32>, vector<1024x1024xf32>, vector<128x1024xf32> -> vector<128x1024xf32>
      %get3A_29 = arith.constant 0 : index
      %get3A_30 = arith.constant 0 : index
      %get3A_31 = arith.constant 0 : index
      %get3A_32 = vector.load %arg6[%get3A_29, %get3A_30, %get3A_31] : memref<1x1x1024xf32, #tpu.memory_space<vmem>>, vector<1x1x1024xf32>
      %get3A_33 = vector.shape_cast %get3A_32 : vector<1x1x1024xf32> to vector<1x1024xf32>
      %add3A_34 = vector.broadcast %get3A_33 : vector<1x1024xf32> to vector<128x1024xf32>
      %add3A_35 = arith.addf %dot_general3A_28, %add3A_34 : vector<128x1024xf32>
      %swap3A = arith.constant 0 : index
      %swap3A_36 = arith.constant 0 : index
      %swap3A_37 = vector.load %arg7[%swap3A, %swap3A_36] : memref<128x1024xf32, #tpu.memory_space<vmem>>, vector<128x1024xf32>
      tpu.vector_store %arg7[%swap3A, %swap3A_36], %add3A_35 {strides = array<i32>} : memref<128x1024xf32, #tpu.memory_space<vmem>>, vector<128x1024xf32>,
    } else {
    }
    return
  }
  func.func @transform_0(%arg0: i32, %arg1: memref<24xi32, #tpu.memory_space<smem>>) -> (i32, i32) {
    %min3A = arith.constant 23 : i32
    %min3A_0 = arith.minsi %arg0, %min3A : i32
    %c0_i32 = arith.constant 0 : i32
    %c0_i32_1 = arith.constant 0 : i32
    return %min3A_0, %c0_i32 : i32, i32
  }
  func.func @transform_1(%arg0: i32, %arg1: memref<24xi32, #tpu.memory_space<smem>>) -> (i32, i32, i32) {
    %min3A = arith.constant 23 : i32
    %min3A_0 = arith.minsi %arg0, %min3A : i32
    %get3A = arith.index_cast %min3A_0 : i32 to index
    %get3A_1 = memref.load %arg1[%get3A] : memref<24xi32, #tpu.memory_space<smem>>
    %c0_i32 = arith.constant 0 : i32
    %c0_i32_2 = arith.constant 0 : i32
    %c0_i32_3 = arith.constant 0 : i32
    return %get3A_1, %c0_i32, %c0_i32_2 : i32, i32, i32
  }
  func.func @transform_2(%arg0: i32, %arg1: memref<24xi32, #tpu.memory_space<smem>>) -> (i32, i32, i32) {
    %min3A = arith.constant 23 : i32
    %min3A_0 = arith.minsi %arg0, %min3A : i32
    %get3A = arith.index_cast %min3A_0 : i32 to index
    %get3A_1 = memref.load %arg1[%get3A] : memref<24xi32, #tpu.memory_space<smem>>
    %c0_i32 = arith.constant 0 : i32
    %c0_i32_2 = arith.constant 0 : i32
    %c0_i32_3 = arith.constant 0 : i32
    return %get3A_1, %c0_i32, %c0_i32_2 : i32, i32, i32
  }
  func.func @transform_3(%arg0: i32, %arg1: memref<24xi32, #tpu.memory_space<smem>>) -> (i32, i32, i32) {
    %min3A = arith.constant 23 : i32
    %min3A_0 = arith.minsi %arg0, %min3A : i32
    %get3A = arith.index_cast %min3A_0 : i32 to index
    %get3A_1 = memref.load %arg1[%get3A] : memref<24xi32, #tpu.memory_space<smem>>
    %c0_i32 = arith.constant 0 : i32
    %c0_i32_2 = arith.constant 0 : i32
    %c0_i32_3 = arith.constant 0 : i32
    return %get3A_1, %c0_i32, %c0_i32_2 : i32, i32, i32
  }
  func.func @transform_4(%arg0: i32, %arg1: memref<24xi32, #tpu.memory_space<smem>>) -> (i32, i32, i32) {
    %min3A = arith.constant 23 : i32
    %min3A_0 = arith.minsi %arg0, %min3A : i32
    %get3A = arith.index_cast %min3A_0 : i32 to index
    %get3A_1 = memref.load %arg1[%get3A] : memref<24xi32, #tpu.memory_space<smem>>
    %c0_i32 = arith.constant 0 : i32
    %c0_i32_2 = arith.constant 0 : i32
    %c0_i32_3 = arith.constant 0 : i32
    return %get3A_1, %c0_i32, %c0_i32_2 : i32, i32, i32
  }
  func.func @transform_5(%arg0: i32, %arg1: memref<24xi32, #tpu.memory_space<smem>>) -> (i32, i32) {
    %c0_i32 = arith.constant 0 : i32
    %c0_i32_0 = arith.constant 0 : i32
    return %arg0, %c0_i32 : i32, i32
  }
}

</mosaic_0001>

<sc_bundles>
// kernel: kernel.6.cloned.1.call-start
scs
__scs_entry_jumppad:
0x0: {  	(pc) =	sbr.rel $0x88, $3  }
0x1: {  	(tag) =	ssettag $0x0;
	lr =	simm.s32 $0x1  }
0x2: {  	[smem:$0x3F9A] =	sst lr;
	_ =	strace $0xD0000000  }
0x3: {  	_ = 	snop  }
0x4: {  	_ = 	snop  }
0x5: {  	_ = 	snop  }
0x6: {  	_ = 	snop  }
0x7: {  	_ = 	snop  }
__scs_overlays_trampoline_lowered:
0x8: {  	[smem:$0x3FA9] =	sst s0  }
0x9: {  	[smem:$0x3FAA] =	sst s1  }
0xa: {  	[smem:$0x3FAB] =	sst s2  }
0xb: {  	[smem:$0x3FAC] =	sst s3  }
0xc: {  	[smem:$0x3FAD] =	sst s4  }
0xd: {  	[smem:$0x3FAE] =	sst s5  }
0xe: {  	[smem:$0x3FAF] =	sst s6  }
0xf: {  	[smem:$0x3FB0] =	sst s7  }
0x10: {  	[smem:$0x3FB1] =	sst s8  }
0x11: {  	[smem:$0x3FB2] =	sst s9;
	s0 =	simm.s32 @!p0 $0x0  }
0x12: {  	s1 =	sld [smem:$0x3F98];
	s0 =	simm.s32 @p0 $0x1  }
0x13: {  	[smem:$0x3FB3] =	sst s0;
	s0 =	simm.s32 @!p1 $0x0  }
0x14: {  	s2 =	sld [smem:$0x3F97];
	s0 =	simm.s32 @p1 $0x1  }
0x15: {  	[smem:$0x3FB4] =	sst s0;
	s0 =	simm.s32 @!p2 $0x0  }
0x16: {  	s3 =	sld [smem:$0x3FDB];
	s0 =	simm.s32 @p2 $0x1  }
0x17: {  	s4 =	simm.s32 $0x1BF5;
	[smem:$0x3FB6] =	sst s0  }
0x18: {  	s0 =	sld [smem:$0x3F99];
	_ =	swait.ge [sflag:s4], $0x0  }
0x19: {  	s7 =	sld [smem:$0x3F9A]  }
0x1a: {  	s8 =	sadd.s32 $0xFFFFE003, lr  }
0x1b: {  	s9 =	sadd.s32 $0xFFFFFEF7, lr;
	s5 =	simm.s32 $0xFFFFFFFF;
	p2 =	slt.u32 s8, $0xFFFFF086  }
0x1c: {  	p1 =	slt.u32 s9, $0xF7A;
	s5 =	simm.s32 @!p2 $0x0  }
0x1d: {  	s5 =	simm.s32 @p1 $0x1;
	p0 =	seq.s32 s7, s2  }
0x1e: {  	s7 =	smul.u32 @!p0 $0xF7A, s2;
	p2 =	seq.s32 @!p0 s5, $0x0  }
0x1f: {  	s9 =	smul.u32 $0xF7A, s1;
	s8 =	simm.s32 @!p0 $0x1BF5;
	p2 =	por !p2, p0  }
0x20: {  	[sflag:s8] =	ssyncset.s32 @!p0 $0xFFFFF086;
	s6 =	sadd.s32 @!p0 s3, s7;
	s7 =	simm.s32 @!p0 $0x108  }
0x21: {  	s3 =	sadd.s32 s3, s9;
	s6 =	sadd.s32 @!p0 $0x88, s6;
	s7 =	simm.s32 @p2 $0x1082  }
0x22: {  	[simem:s7], [sflag:s8] =	dma.local @!p0 [hbm:s6], $0xF7A  }
0x23: {  	s9 =	sor.u32 $0xD0000000, s2;
	s6 =	simm.s32 $0x108;
	_ =	swait.ge @!p0 [sflag:s8], $0x0  }
0x24: {  	s3 =	sadd.s32 $0x88, s3;
	s6 =	simm.s32 @!p1 $0x1082;
	[sflag:s4] =	ssyncset.s32 $0xFFFFF086  }
0x25: {  	[simem:s6], [sflag:s4] =	dma.local [hbm:s3], $0xF7A  }
0x26: {  	[smem:$0x3F9A] =	sst s1;
	(tag) =	ssettag s2;
	_ =	strace s9  }
0x27: {  	s1 =	sld [smem:$0x3FAA]  }
0x28: {  	s2 =	sld [smem:$0x3FAB]  }
0x29: {  	s4 =	sld [smem:$0x3FAD]  }
0x2a: {  	p0 =	seq.s32 s5, $0x0;
	s5 =	sld [smem:$0x3FAE]  }
0x2b: {  	s6 =	sld [smem:$0x3FAF]  }
0x2c: {  	s7 =	sld [smem:$0x3FB0]  }
0x2d: {  	s3 =	simm.s32 $0x108;
	s8 =	sld [smem:$0x3FB1]  }
0x2e: {  	s3 =	simm.s32 @!p0 $0x1082;
	s9 =	sld [smem:$0x3FB2]  }
0x2f: {  	lr =	sadd.s32 s0, s3;
	s0 =	sld [smem:$0x3FA9]  }
0x30: {  	s3 =	sld [smem:$0x3FAC]  }
0x31: {  	[smem:$0x3FB5] =	sst s10  }
0x32: {  	s10 =	sld [smem:$0x3FB3];
	_ =	sdelay $0x3  }
0x33: {  	p0 =	seq.s32 s10, $0x1;
	s10 =	sld [smem:$0x3FB5];
	_ =	sdelay $0x3  }
0x34: {  	[smem:$0x3FB5] =	sst s10  }
0x35: {  	s10 =	sld [smem:$0x3FB4];
	_ =	sdelay $0x3  }
0x36: {  	p1 =	seq.s32 s10, $0x1;
	s10 =	sld [smem:$0x3FB5];
	_ =	sdelay $0x3  }
0x37: {  	[smem:$0x3FB5] =	sst s10  }
0x38: {  	s10 =	sld [smem:$0x3FB6]  }
0x39: {  	_ = 	snop;
	(pc) =	sbr.ind lr, $3  }
0x3a: {  	_ = 	snop  }
0x3b: {  	_ = 	snop  }
0x3c: {  	p2 =	seq.s32 s10, $0x1;
	s10 =	sld [smem:$0x3FB5]  }
0x3d: {  	_ =	shalt  }
0x3e: {  	_ =	shalt  }
0x3f: {  	_ =	shalt  }
0x40: {  	_ =	shalt  }
0x41: {  	_ =	shalt  }
0x42: {  	_ =	shalt  }
0x43: {  	_ =	shalt  }
0x44: {  	_ =	shalt  }
0x45: {  	_ =	shalt  }
0x46: {  	_ =	shalt  }
0x47: {  	_ =	shalt  }
0x48: {  	_ =	shalt  }
0x49: {  	_ =	shalt  }
0x4a: {  	_ =	shalt  }
0x4b: {  	_ =	shalt  }
0x4c: {  	_ =	shalt  }
0x4d: {  	_ =	shalt  }
0x4e: {  	_ =	shalt  }
0x4f: {  	_ =	shalt  }
0x50: {  	_ =	shalt  }
0x51: {  	_ =	shalt  }
0x52: {  	_ =	shalt  }
0x53: {  	_ =	shalt  }
0x54: {  	_ =	shalt  }
0x55: {  	_ =	shalt  }
0x56: {  	_ =	shalt  }
0x57: {  	_ =	shalt  }
0x58: {  	_ =	shalt  }
0x59: {  	_ =	shalt  }
0x5a: {  	_ =	shalt  }
0x5b: {  	_ =	shalt  }
0x5c: {  	_ =	shalt  }
0x5d: {  	_ =	shalt  }
0x5e: {  	_ =	shalt  }
0x5f: {  	_ =	shalt  }
0x60: {  	_ =	shalt  }
0x61: {  	_ =	shalt  }
0x62: {  	_ =	shalt  }
0x63: {  	_ =	shalt  }
0x64: {  	_ =	shalt  }
0x65: {  	_ =	shalt  }
0x66: {  	_ =	shalt  }
0x67: {  	_ =	shalt  }
0x68: {  	_ =	shalt  }
0x69: {  	_ =	shalt  }
0x6a: {  	_ =	shalt  }
0x6b: {  	_ =	shalt  }
0x6c: {  	_ =	shalt  }
0x6d: {  	_ =	shalt  }
0x6e: {  	_ =	shalt  }
0x6f: {  	_ =	shalt  }
0x70: {  	_ =	shalt  }
0x71: {  	_ =	shalt  }
0x72: {  	_ =	shalt  }
0x73: {  	_ =	shalt  }
0x74: {  	_ =	shalt  }
0x75: {  	_ =	shalt  }
0x76: {  	_ =	shalt  }
0x77: {  	_ =	shalt  }
0x78: {  	_ =	shalt  }
0x79: {  	_ =	shalt  }
0x7a: {  	_ =	shalt  }
0x7b: {  	_ =	shalt  }
0x7c: {  	_ =	shalt  }
0x7d: {  	_ =	shalt  }
0x7e: {  	_ =	shalt  }
0x7f: {  	_ =	shalt  }
0x80: {  	_ =	shalt  }
0x81: {  	_ =	shalt  }
0x82: {  	_ =	shalt  }
0x83: {  	_ =	shalt  }
0x84: {  	_ =	shalt  }
0x85: {  	_ =	shalt  }
0x86: {  	_ =	shalt  }
0x87: {  	_ =	shalt  }
.Lfunc_end0:
.L_simem_size_0:
called_computation_lowered:
.L_overlay_start_0:
0x88: {  	s2 =	sld [smem:$0x3FD9]  }
0x89: {  	s3 =	sld [smem:$0x3FFE];
	_ =	sdelay $0x1  }
0x8a: {  	s1 =	srdreg.scid  }
0x8b: {  	s0 =	sand.u32 $0x1, s1  }
0x8c: {  	s14 =	sshll.u32 s0, $0xA;
	s2 =	sadd.s32 s3, s2  }
0x8d: {  	s2 =	sadd.s32 s2, s14  }
0x8e: {  	[smem:$0x3FC1] =	sst s2  }
0x8f: {  	_ = 	snop  }
0x90: {  	s2 =	sld [smem:$0x3FD0];
	_ =	sdelay $0x2  }
0x91: {  	s4 =	simm.s32 $0xA;
	s5 =	simm.s32 $0x10;
	s15 =	sld [smem:$0x3FC9]  }
0x92: {  	[smem:s5], [sflag:s4] =	dma.local [hbm:s2], $0x1  }
0x93: {  	_ =	swait.eq [sflag:s4], $0x1  }
0x94: {  	[sflag:s4] =	ssyncset.done $0x0  }
0x95: {  	[sflag:s4] =	ssyncadd.s32 $0xFFFFFFFF  }
0x96: {  	s16 =	sld [smem:$0x10];
	(tm) =	ssettm $0x1  }
0x97: {  	s17 =	sld [smem:$0x3FFB];
	_ =	sdelay $0x3  }
0x98: {  	_ =	strace s17  }
0x99: {  	s4 =	sld [smem:$0x3FFC];
	_ =	sdelay $0x3  }
0x9a: {  	_ =	strace s4  }
0x9b: {  	s4 =	sld [smem:$0x3FFD];
	_ =	sdelay $0x3  }
0x9c: {  	_ =	strace s4  }
0x9d: {  	_ =	strace $0x8FFFFFFF  }
0x9e: {  	s18 =	sld [smem:$0x3FDB];
	_ =	sdelay $0x1  }
0x9f: {  	s19 =	simm.s32 $_scs_section_size  }
0xa0: {  	s6 =	simm.s32 $_size__tile_overlayer_lowered;
	s7 =	simm.s32 $_tile_overlayer_lowered  }
0xa1: {  	s22 =	simm.s32 $0x1BFF;
	s21 =	sshll.u32 s7, $0x1;
	s4 =	sadd.s32 s19, s18  }
0xa2: {  	s8 =	simm.s32 $0x0;
	s20 =	sshll.u32 s6, $0x1;
	s6 =	sadd.s32 s21, s4  }
0xa3: {  	[timem:s8], [sflag:s22] =	dma.local [hbm:s6], s20  }
0xa4: {  	_ =	swait.ge [sflag:s22], s20  }
0xa5: {  	s5 =	ssub.s32 $0x0, s20;
	[sflag:s22] =	ssyncset.done $0x0  }
0xa6: {  	[sflag:s22] =	ssyncadd.s32 s5;
	_ =	sdelay $0x1  }
0xa7: {  	s23 =	simm.s32 $0x1B8B  }
0xa8: {  	_ =	swait.ge [sflag:s23], $0x1  }
0xa9: {  	[sflag:s23] =	ssyncset.done $0x0  }
0xaa: {  	s25 =	simm.s32 $0x1B8E;
	s24 =	sld [smem:$0x3FFE];
	[sflag:s23] =	ssyncadd.s32 $0xFFFFFFFF  }
0xab: {  	s26 =	simm.s32 $execute0_lowered;
	[smem:$0x3FD2] =	sst s25  }
0xac: {  	s6 =	sshll.u32 s26, $0x1;
	_ =	strace $0x80000046;
	[dreg:$0x1] =	wrdreg $0xFFFFFFFF  }
0xad: {  	s28 =	simm.s32 $_size_execute0_lowered;
	s4 =	sadd.s32 s4, s6;
	[dreg:$0x0] =	wrdreg $0x0  }
0xae: {  	s6 =	sshll.u32 s28, $0x1;
	[dreg:$0x2] =	wrdreg s4  }
0xaf: {  	[dreg:$0x3] =	wrdreg s6  }
0xb0: {  	[dreg:$0x4] =	wrdreg $0xC0  }
0xb1: {  	_ =	task [dreg:s8], $0x5FFFF  }
0xb2: {  	[dreg:$0x1] =	wrdreg $0xFFFFFFFF  }
0xb3: {  	[dreg:$0x0] =	wrdreg $0x60  }
0xb4: {  	[dreg:$0x2] =	wrdreg s15  }
0xb5: {  	[dreg:$0x3] =	wrdreg s24  }
0xb6: {  	[dreg:$0x4] =	wrdreg s16  }
0xb7: {  	[dreg:$0x5] =	wrdreg $0x9  }
0xb8: {  	_ =	task.clear_ibuf [dreg:s8], $0x6FFFF;
	_ =	strace $0x90000046  }
0xb9: {  	s29 =	simm.s32 $0x9;
	_ =	strace $0x80000048  }
0xba: {  	_ =	swait.ge [sflag:s29], $0x1  }
0xbb: {  	[sflag:s29] =	ssyncadd.s32 $0xFFFFFFFF  }
0xbc: {  	_ =	strace $0x90000048  }
0xbd: {  	_ =	sfence  }
0xbe: {  	s30 =	sld [smem:$0x0];
	_ =	sdelay $0x2  }
0xbf: {  	s31 =	sshll.u32 s1, $0xD;
	s1 =	sshrl.u32 s1, $0x2  }
0xc0: {  	s3 =	sand.u32 $0x4000, s31;
	s1 =	sadd.s32 s1, s30  }
0xc1: {  	s0 =	sor.u32 s3, s0;
	s1 =	sshll.u32 s1, $0x11  }
0xc2: {  	s0 =	sor.u32 s1, s0  }
0xc3: {  	s0 =	sadd.s32 $0x8F2B, s0  }
0xc4: {  	[sflag:s0] =	ssyncadd.remote.s32 $0x1  }
0xc5: {  	_ =	sfence.sel $0xFFFF  }
0xc6: {  	[dreg:$0x0] =	wrdreg $0xFFFFFFFF;
	(pc) =	sbr.abs _section_cstart, $3  }
0xc7: {  	[dreg:$0x1] =	wrdreg $0xFFFFFFFF  }
0xc8: {  	_ =	task.clear_ibuf [dreg:s8], $0x2FFFF;
	_ =	strace $0x9FFFFFFF  }
0xc9: {  	(tm) =	ssettm $0x7FFFFFFF  }
tec
execute0_lowered:
.L_overlay_start_1:
0x0: {  	(tag) =	ssettag $0x1  }
0x1: {  	s2 =	srdreg.scid  }
0x2: {  	s0 =	stileid.u32;
	s1 =	rddreg [dreg:$0x0]  }
0x3: {  	s4 =	rddreg [dreg:$0x1];
	s2 =	sand.u32 $0x1, s2;
	s3 =	sshll.u32 s0, $0x1  }
0x4: {  	s6 =	rddreg [dreg:$0x2];
	s5 =	sor.u32 s2, s3;
	s3 =	simm.s32 $0x0  }
0x5: {  	s24 =	simm.s32 $0x880;
	[smem:$0x7FF] =	sst s3  }
0x6: {  	s25 =	simm.s32 $0x1080;
	_ =	strace $0x80000047;
	[dreg:$0x6] =	wrdreg s24  }
0x7: {  	s26 =	simm.s32 $0x1880;
	[dreg:$0x7] =	wrdreg s25  }
0x8: {  	s0 =	simm.s32 $0x2080;
	[dreg:$0x8] =	wrdreg s26  }
0x9: {  	s8 =	simm.s32 $0x4080;
	[dreg:$0x9] =	wrdreg s0  }
0xa: {  	s9 =	simm.s32 $0x4880;
	[dreg:$0xd] =	wrdreg s8  }
0xb: {  	s10 =	simm.s32 $0x5080;
	[dreg:$0xe] =	wrdreg s9  }
0xc: {  	s11 =	simm.s32 $0x5880;
	[dreg:$0xf] =	wrdreg s10  }
0xd: {  	s12 =	simm.s32 $0x6080;
	[dreg:$0x10] =	wrdreg s11  }
0xe: {  	s13 =	simm.s32 $0x6880;
	s14 =	simm.s32 $0x7080;
	[dreg:$0x11] =	wrdreg s12  }
0xf: {  	s15 =	simm.s32 $0x7880;
	s16 =	simm.s32 $0x8080;
	[dreg:$0x12] =	wrdreg s13  }
0x10: {  	s17 =	simm.s32 $0x8880;
	s18 =	simm.s32 $0x9080;
	[dreg:$0x13] =	wrdreg s14  }
0x11: {  	s19 =	simm.s32 $0x9880;
	s21 =	simm.s32 $0xA080;
	[dreg:$0x14] =	wrdreg s15  }
0x12: {  	s22 =	simm.s32 $0xA880;
	s28 =	simm.s32 $0x16080;
	[dreg:$0x15] =	wrdreg s16  }
0x13: {  	s29 =	simm.s32 $0x16880;
	s30 =	simm.s32 $0x17080;
	[dreg:$0x16] =	wrdreg s17  }
0x14: {  	s31 =	simm.s32 $0x17880;
	s2 =	ssub.s32 $0x2, s2;
	[dreg:$0x17] =	wrdreg s18  }
0x15: {  	s7 =	smul.u32 $0xC, s5;
	s20 =	sshrl.u32 s2, $0x1;
	[dreg:$0x18] =	wrdreg s19  }
0x16: {  	s5 =	smul.u32 $0x3000, s5;
	s2 =	ssub.s32 s2, s20;
	[dreg:$0x19] =	wrdreg s21  }
0x17: {  	[dreg:$0x1a] =	wrdreg s22;
	s24 =	simm.s32 $0xB880;
	s8 =	simm.s32 $0xC080  }
0x18: {  	s25 =	simm.s32 $0xC880;
	s26 =	simm.s32 $0xD080;
	s9 =	simm.s32 $0x80  }
0x19: {  	s11 =	simm.s32 $0xE080;
	s12 =	simm.s32 $0xE880;
	s13 =	simm.s32 $0xF080  }
0x1a: {  	s14 =	simm.s32 $0xF880;
	s15 =	simm.s32 $0x10080;
	s16 =	simm.s32 $0x10880  }
0x1b: {  	s17 =	simm.s32 $0x11080;
	s18 =	simm.s32 $0x11880;
	[dreg:$0x1c] =	wrdreg s24  }
0x1c: {  	s19 =	simm.s32 $0x12080;
	s20 =	simm.s32 $0x12880;
	[dreg:$0x1d] =	wrdreg s8  }
0x1d: {  	s21 =	simm.s32 $0x13080;
	s22 =	simm.s32 $0x13880;
	[dreg:$0x1e] =	wrdreg s25  }
0x1e: {  	s4 =	sadd.s32 s7, s4;
	s23 =	sadd.s32 s6, s5;
	[dreg:$0x1f] =	wrdreg s26  }
0x1f: {  	s5 =	simm.s32 $0x2880;
	s6 =	simm.s32 $0x3080;
	[dreg:$0x5] =	wrdreg s23  }
0x20: {  	s7 =	simm.s32 $0x3880;
	s8 =	simm.s32 $0x2;
	[dreg:$0xa] =	wrdreg s5  }
0x21: {  	s24 =	simm.s32 $0x14880;
	s25 =	simm.s32 $0x15080;
	[dreg:$0xb] =	wrdreg s6  }
0x22: {  	s26 =	simm.s32 $0x15880;
	s4 =	sadd.s32 $0xC00, s4;
	[dreg:$0xc] =	wrdreg s7  }
0x23: {  	v2 =	vlaneseq.u32;
	s23 =	simm.s32 $0xB080;
	s5 =	sadd.s32 $0x200, s1;
	s6 =	sadd.s32 $0x300, s1  }
0x24: {  	vm0 =	vmmov $0xffff;
	v1 =	vshrl.u32 v2, $0x3;
	s7 =	smax.u32 s2, $0x1;
	s2 =	simm.s32 $0x1;
	[dreg:$0x4] =	wrdreg s4  }
0x25: {  	v0 =	vand.u32 $0x7, v2;
	v2 =	vor.u32 $0x8, v2;
	v1 =	vmul.u32 $0x8, v1;
	s4 =	sadd.s32 $0x100, s1;
	[dreg:$0x1b] =	wrdreg s23;
	s23 =	simm.s32 $0x14080  }
.LBB2_1:
0x26: {  	s0 =	rddreg [dreg:$0x4]  }
0x27: {  	[tilespmem:s3], [sflag:$0x2] =	stream.linear.gather [hbm4b:s0+s3], $0x60, $0x38;
	[tilespmem:$0x18080] =	vst v63  }
0x28: {  	_ =	swait.ge [sflag:s8], $0x60  }
0x29: {  	[sflag:s8] =	ssyncset.done $0x0  }
0x2a: {  	[sflag:s8] =	ssyncadd.s32 $0xFFFFFFA0  }
0x2b: {  	v3 =	vld [tilespmem:$0x0];
	_ =	sdelay $0x4  }
0x2c: {  	v4 =	vshll.u32 v3, $0x3  }
0x2d: {  	v3 =	vand.u32 $0x7, v3;
	v4 =	vand.u32 $0xFFFFFFC0, v4  }
0x2e: {  	v3 =	vor.u32 v3, v4  }
0x2f: {  	v4 =	vperm.xlane v3, v0;
	_ =	sdelay $0x1  }
0x30: {  	v4 =	vadd.s32 v1, v4;
	_ =	sdelay $0x4  }
0x31: {  	[tilespmem:s9], [sflag:$0x1] =	stream.indirect_vreg.gather [hbm4b:s1+s3], $0x80, v4, vm0, $0xb8;
	[tilespmem:$0x18080] =	vst v63  }
0x32: {  	s0 =	rddreg [dreg:$0x6];
	v3 =	vperm.xlane v3, v2  }
0x33: {  	[tilespmem:s0], [sflag:$0x1] =	stream.indirect_vreg.gather [hbm4b:s4+s3], $0x80, v4, vm0, $0xb8;
	[tilespmem:$0x18080] =	vst v63  }
0x34: {  	s10 =	rddreg [dreg:$0x7];
	v3 =	vadd.s32 v1, v3  }
0x35: {  	[tilespmem:s10], [sflag:$0x1] =	stream.indirect_vreg.gather [hbm4b:s5+s3], $0x80, v4, vm0, $0xb8;
	[tilespmem:$0x18080] =	vst v63  }
0x36: {  	s0 =	rddreg [dreg:$0x8]  }
0x37: {  	[tilespmem:s0], [sflag:$0x1] =	stream.indirect_vreg.gather [hbm4b:s6+s3], $0x80, v4, vm0, $0xb8;
	[tilespmem:$0x18080] =	vst v63  }
0x38: {  	s10 =	rddreg [dreg:$0x9]  }
0x39: {  	[tilespmem:s10], [sflag:$0x1] =	stream.indirect_vreg.gather [hbm4b:s1+s3], $0x80, v3, vm0, $0xb8;
	[tilespmem:$0x18080] =	vst v63  }
0x3a: {  	s0 =	rddreg [dreg:$0xa]  }
0x3b: {  	[tilespmem:s0], [sflag:$0x1] =	stream.indirect_vreg.gather [hbm4b:s4+s3], $0x80, v3, vm0, $0xb8;
	[tilespmem:$0x18080] =	vst v63  }
0x3c: {  	s10 =	rddreg [dreg:$0xb]  }
0x3d: {  	[tilespmem:s10], [sflag:$0x1] =	stream.indirect_vreg.gather [hbm4b:s5+s3], $0x80, v3, vm0, $0xb8;
	[tilespmem:$0x18080] =	vst v63  }
0x3e: {  	s0 =	rddreg [dreg:$0xc]  }
0x3f: {  	[tilespmem:s0], [sflag:$0x1] =	stream.indirect_vreg.gather [hbm4b:s6+s3], $0x80, v3, vm0, $0xb8;
	[tilespmem:$0x18080] =	vst v63  }
0x40: {  	v3 =	vld [tilespmem:$0x10];
	_ =	sdelay $0x4  }
0x41: {  	v59 =	vshll.u32 v3, $0x3  }
0x42: {  	v3 =	vand.u32 $0x7, v3;
	v4 =	vand.u32 $0xFFFFFFC0, v59  }
0x43: {  	v3 =	vor.u32 v3, v4  }
0x44: {  	v4 =	vperm.xlane v3, v0;
	_ =	sdelay $0x1  }
0x45: {  	v4 =	vadd.s32 v1, v4;
	_ =	sdelay $0x3  }
0x46: {  	s0 =	rddreg [dreg:$0xd]  }
0x47: {  	[tilespmem:s0], [sflag:$0x1] =	stream.indirect_vreg.gather [hbm4b:s1+s3], $0x80, v4, vm0, $0xb8;
	[tilespmem:$0x18080] =	vst v63  }
0x48: {  	s10 =	rddreg [dreg:$0xe];
	v3 =	vperm.xlane v3, v2  }
0x49: {  	[tilespmem:s10], [sflag:$0x1] =	stream.indirect_vreg.gather [hbm4b:s4+s3], $0x80, v4, vm0, $0xb8;
	[tilespmem:$0x18080] =	vst v63  }
0x4a: {  	v3 =	vadd.s32 v1, v3;
	s0 =	rddreg [dreg:$0xf]  }
0x4b: {  	[tilespmem:s0], [sflag:$0x1] =	stream.indirect_vreg.gather [hbm4b:s5+s3], $0x80, v4, vm0, $0xb8;
	[tilespmem:$0x18080] =	vst v63  }
0x4c: {  	s10 =	rddreg [dreg:$0x10]  }
0x4d: {  	[tilespmem:s10], [sflag:$0x1] =	stream.indirect_vreg.gather [hbm4b:s6+s3], $0x80, v4, vm0, $0xb8;
	[tilespmem:$0x18080] =	vst v63  }
0x4e: {  	s0 =	rddreg [dreg:$0x11]  }
0x4f: {  	[tilespmem:s0], [sflag:$0x1] =	stream.indirect_vreg.gather [hbm4b:s1+s3], $0x80, v3, vm0, $0xb8;
	[tilespmem:$0x18080] =	vst v63  }
0x50: {  	s10 =	rddreg [dreg:$0x12]  }
0x51: {  	[tilespmem:s10], [sflag:$0x1] =	stream.indirect_vreg.gather [hbm4b:s4+s3], $0x80, v3, vm0, $0xb8;
	[tilespmem:$0x18080] =	vst v63  }
0x52: {  	s0 =	rddreg [dreg:$0x13]  }
0x53: {  	[tilespmem:s0], [sflag:$0x1] =	stream.indirect_vreg.gather [hbm4b:s5+s3], $0x80, v3, vm0, $0xb8;
	[tilespmem:$0x18080] =	vst v63  }
0x54: {  	s10 =	rddreg [dreg:$0x14]  }
0x55: {  	[tilespmem:s10], [sflag:$0x1] =	stream.indirect_vreg.gather [hbm4b:s6+s3], $0x80, v3, vm0, $0xb8;
	[tilespmem:$0x18080] =	vst v63  }
0x56: {  	v3 =	vld [tilespmem:$0x20];
	_ =	sdelay $0x4  }
0x57: {  	v60 =	vshll.u32 v3, $0x3  }
0x58: {  	v3 =	vand.u32 $0x7, v3;
	v4 =	vand.u32 $0xFFFFFFC0, v60  }
0x59: {  	v3 =	vor.u32 v3, v4  }
0x5a: {  	v4 =	vperm.xlane v3, v0;
	_ =	sdelay $0x1  }
0x5b: {  	v4 =	vadd.s32 v1, v4;
	_ =	sdelay $0x3  }
0x5c: {  	s0 =	rddreg [dreg:$0x15]  }
0x5d: {  	[tilespmem:s0], [sflag:$0x1] =	stream.indirect_vreg.gather [hbm4b:s1+s3], $0x80, v4, vm0, $0xb8;
	[tilespmem:$0x18080] =	vst v63  }
0x5e: {  	s10 =	rddreg [dreg:$0x16];
	v3 =	vperm.xlane v3, v2  }
0x5f: {  	[tilespmem:s10], [sflag:$0x1] =	stream.indirect_vreg.gather [hbm4b:s4+s3], $0x80, v4, vm0, $0xb8;
	[tilespmem:$0x18080] =	vst v63  }
0x60: {  	v3 =	vadd.s32 v1, v3;
	s0 =	rddreg [dreg:$0x17]  }
0x61: {  	[tilespmem:s0], [sflag:$0x1] =	stream.indirect_vreg.gather [hbm4b:s5+s3], $0x80, v4, vm0, $0xb8;
	[tilespmem:$0x18080] =	vst v63  }
0x62: {  	s10 =	rddreg [dreg:$0x18]  }
0x63: {  	[tilespmem:s10], [sflag:$0x1] =	stream.indirect_vreg.gather [hbm4b:s6+s3], $0x80, v4, vm0, $0xb8;
	[tilespmem:$0x18080] =	vst v63  }
0x64: {  	s0 =	rddreg [dreg:$0x19]  }
0x65: {  	[tilespmem:s0], [sflag:$0x1] =	stream.indirect_vreg.gather [hbm4b:s1+s3], $0x80, v3, vm0, $0xb8;
	[tilespmem:$0x18080] =	vst v63  }
0x66: {  	s10 =	rddreg [dreg:$0x1a]  }
0x67: {  	[tilespmem:s10], [sflag:$0x1] =	stream.indirect_vreg.gather [hbm4b:s4+s3], $0x80, v3, vm0, $0xb8;
	[tilespmem:$0x18080] =	vst v63  }
0x68: {  	s0 =	rddreg [dreg:$0x1b]  }
0x69: {  	[tilespmem:s0], [sflag:$0x1] =	stream.indirect_vreg.gather [hbm4b:s5+s3], $0x80, v3, vm0, $0xb8;
	[tilespmem:$0x18080] =	vst v63  }
0x6a: {  	s10 =	rddreg [dreg:$0x1c]  }
0x6b: {  	[tilespmem:s10], [sflag:$0x1] =	stream.indirect_vreg.gather [hbm4b:s6+s3], $0x80, v3, vm0, $0xb8;
	[tilespmem:$0x18080] =	vst v63  }
0x6c: {  	v3 =	vld [tilespmem:$0x30];
	_ =	sdelay $0x4  }
0x6d: {  	v61 =	vshll.u32 v3, $0x3  }
0x6e: {  	v3 =	vand.u32 $0x7, v3;
	v4 =	vand.u32 $0xFFFFFFC0, v61  }
0x6f: {  	v3 =	vor.u32 v3, v4  }
0x70: {  	v4 =	vperm.xlane v3, v0;
	_ =	sdelay $0x1  }
0x71: {  	v4 =	vadd.s32 v1, v4;
	_ =	sdelay $0x3  }
0x72: {  	s0 =	rddreg [dreg:$0x1d]  }
0x73: {  	[tilespmem:s0], [sflag:$0x1] =	stream.indirect_vreg.gather [hbm4b:s1+s3], $0x80, v4, vm0, $0xb8;
	[tilespmem:$0x18080] =	vst v63  }
0x74: {  	s10 =	rddreg [dreg:$0x1e];
	v3 =	vperm.xlane v3, v2  }
0x75: {  	[tilespmem:s10], [sflag:$0x1] =	stream.indirect_vreg.gather [hbm4b:s4+s3], $0x80, v4, vm0, $0xb8;
	[tilespmem:$0x18080] =	vst v63  }
0x76: {  	v3 =	vadd.s32 v1, v3;
	s0 =	rddreg [dreg:$0x1f]  }
0x77: {  	[tilespmem:s0], [sflag:$0x1] =	stream.indirect_vreg.gather [hbm4b:s5+s3], $0x80, v4, vm0, $0xb8;
	[tilespmem:$0x18080] =	vst v63  }
0x78: {  	s10 =	simm.s32 $0xD880  }
0x79: {  	[tilespmem:s10], [sflag:$0x1] =	stream.indirect_vreg.gather [hbm4b:s6+s3], $0x80, v4, vm0, $0xb8;
	[tilespmem:$0x18080] =	vst v63  }
0x7a: {  	_ = 	snop  }
0x7b: {  	[tilespmem:s11], [sflag:$0x1] =	stream.indirect_vreg.gather [hbm4b:s1+s3], $0x80, v3, vm0, $0xb8;
	[tilespmem:$0x18080] =	vst v63  }
0x7c: {  	_ = 	snop  }
0x7d: {  	[tilespmem:s12], [sflag:$0x1] =	stream.indirect_vreg.gather [hbm4b:s4+s3], $0x80, v3, vm0, $0xb8;
	[tilespmem:$0x18080] =	vst v63  }
0x7e: {  	_ = 	snop  }
0x7f: {  	[tilespmem:s13], [sflag:$0x1] =	stream.indirect_vreg.gather [hbm4b:s5+s3], $0x80, v3, vm0, $0xb8;
	[tilespmem:$0x18080] =	vst v63  }
0x80: {  	_ = 	snop  }
0x81: {  	[tilespmem:s14], [sflag:$0x1] =	stream.indirect_vreg.gather [hbm4b:s6+s3], $0x80, v3, vm0, $0xb8;
	[tilespmem:$0x18080] =	vst v63  }
0x82: {  	v3 =	vld [tilespmem:$0x40];
	_ =	sdelay $0x4  }
0x83: {  	v62 =	vshll.u32 v3, $0x3  }
0x84: {  	v3 =	vand.u32 $0x7, v3;
	v4 =	vand.u32 $0xFFFFFFC0, v62  }
0x85: {  	v3 =	vor.u32 v3, v4  }
0x86: {  	v4 =	vperm.xlane v3, v0;
	_ =	sdelay $0x1  }
0x87: {  	v4 =	vadd.s32 v1, v4;
	_ =	sdelay $0x4  }
0x88: {  	[tilespmem:s15], [sflag:$0x1] =	stream.indirect_vreg.gather [hbm4b:s1+s3], $0x80, v4, vm0, $0xb8;
	[tilespmem:$0x18080] =	vst v63  }
0x89: {  	v3 =	vperm.xlane v3, v2  }
0x8a: {  	[tilespmem:s16], [sflag:$0x1] =	stream.indirect_vreg.gather [hbm4b:s4+s3], $0x80, v4, vm0, $0xb8;
	[tilespmem:$0x18080] =	vst v63  }
0x8b: {  	v3 =	vadd.s32 v1, v3  }
0x8c: {  	[tilespmem:s17], [sflag:$0x1] =	stream.indirect_vreg.gather [hbm4b:s5+s3], $0x80, v4, vm0, $0xb8;
	[tilespmem:$0x18080] =	vst v63  }
0x8d: {  	_ = 	snop  }
0x8e: {  	[tilespmem:s18], [sflag:$0x1] =	stream.indirect_vreg.gather [hbm4b:s6+s3], $0x80, v4, vm0, $0xb8;
	[tilespmem:$0x18080] =	vst v63  }
0x8f: {  	_ = 	snop  }
0x90: {  	[tilespmem:s19], [sflag:$0x1] =	stream.indirect_vreg.gather [hbm4b:s1+s3], $0x80, v3, vm0, $0xb8;
	[tilespmem:$0x18080] =	vst v63  }
0x91: {  	_ = 	snop  }
0x92: {  	[tilespmem:s20], [sflag:$0x1] =	stream.indirect_vreg.gather [hbm4b:s4+s3], $0x80, v3, vm0, $0xb8;
	[tilespmem:$0x18080] =	vst v63  }
0x93: {  	_ = 	snop  }
0x94: {  	[tilespmem:s21], [sflag:$0x1] =	stream.indirect_vreg.gather [hbm4b:s5+s3], $0x80, v3, vm0, $0xb8;
	[tilespmem:$0x18080] =	vst v63  }
0x95: {  	_ = 	snop  }
0x96: {  	[tilespmem:s22], [sflag:$0x1] =	stream.indirect_vreg.gather [hbm4b:s6+s3], $0x80, v3, vm0, $0xb8;
	[tilespmem:$0x18080] =	vst v63  }
0x97: {  	v3 =	vld [tilespmem:$0x50];
	_ =	sdelay $0x4  }
0x98: {  	v63 =	vshll.u32 v3, $0x3  }
0x99: {  	v3 =	vand.u32 $0x7, v3;
	v4 =	vand.u32 $0xFFFFFFC0, v63  }
0x9a: {  	v3 =	vor.u32 v3, v4  }
0x9b: {  	v4 =	vperm.xlane v3, v0;
	_ =	sdelay $0x1  }
0x9c: {  	v4 =	vadd.s32 v1, v4;
	_ =	sdelay $0x4  }
0x9d: {  	[tilespmem:s23], [sflag:$0x1] =	stream.indirect_vreg.gather [hbm4b:s1+s3], $0x80, v4, vm0, $0xb8;
	[tilespmem:$0x18080] =	vst v63  }
0x9e: {  	v3 =	vperm.xlane v3, v2  }
0x9f: {  	[tilespmem:s24], [sflag:$0x1] =	stream.indirect_vreg.gather [hbm4b:s4+s3], $0x80, v4, vm0, $0xb8;
	[tilespmem:$0x18080] =	vst v63  }
0xa0: {  	v3 =	vadd.s32 v1, v3  }
0xa1: {  	[tilespmem:s25], [sflag:$0x1] =	stream.indirect_vreg.gather [hbm4b:s5+s3], $0x80, v4, vm0, $0xb8;
	[tilespmem:$0x18080] =	vst v63  }
0xa2: {  	_ = 	snop  }
0xa3: {  	[tilespmem:s26], [sflag:$0x1] =	stream.indirect_vreg.gather [hbm4b:s6+s3], $0x80, v4, vm0, $0xb8;
	[tilespmem:$0x18080] =	vst v63  }
0xa4: {  	_ = 	snop  }
0xa5: {  	[tilespmem:s28], [sflag:$0x1] =	stream.indirect_vreg.gather [hbm4b:s1+s3], $0x80, v3, vm0, $0xb8;
	[tilespmem:$0x18080] =	vst v63  }
0xa6: {  	_ = 	snop  }
0xa7: {  	[tilespmem:s29], [sflag:$0x1] =	stream.indirect_vreg.gather [hbm4b:s4+s3], $0x80, v3, vm0, $0xb8;
	[tilespmem:$0x18080] =	vst v63  }
0xa8: {  	_ = 	snop  }
0xa9: {  	[tilespmem:s30], [sflag:$0x1] =	stream.indirect_vreg.gather [hbm4b:s5+s3], $0x80, v3, vm0, $0xb8;
	[tilespmem:$0x18080] =	vst v63  }
0xaa: {  	_ = 	snop  }
0xab: {  	[tilespmem:s31], [sflag:$0x1] =	stream.indirect_vreg.gather [hbm4b:s6+s3], $0x80, v3, vm0, $0xb8;
	[tilespmem:$0x18080] =	vst v63  }
0xac: {  	_ =	swait.ge [sflag:s2], $0x18000  }
0xad: {  	p0 =	sne.s32 s7, $0x1;
	[sflag:s2] =	ssyncset.done $0x0  }
.Ltmp0:
0xae: {  	s10 =	rddreg [dreg:$0x5];
	[sflag:s2] =	ssyncadd.s32 $0xFFFE8000;
	(pc) =	sbr.rel @p0 .LBB2_1-.Ltmp0, $4  }
0xaf: {  	[hbm4b:s10+s3] =	stream.linear.scatter [tilespmem:s9], [sflag:$0x2], $0x18000, $0x38;
	[tilespmem:$0x18080] =	vst v63  }
0xb0: {  	_ =	swait.ge [sflag:s8], $0x18000  }
0xb1: {  	[sflag:s8] =	ssyncset.done $0x0  }
0xb2: {  	s7 =	sadd.s32 $0xFFFFFFFF, s7;
	[sflag:s8] =	ssyncadd.s32 $0xFFFE8000  }
0xb3: {  	_ =	sfence.sel $0x180000  }
0xb4: {  	[bflag:$0x0] =	sbarrier.arrive $0xFFFF  }
0xb5: {  	_ =	strace $0x90000047  }
0xb6: {  	s0 =	stileid.u32;
	[bflag:$0x2] =	sbarrier.arrive $0xFFFF  }
0xb7: {  	p0 =	sne.s32 s0, $0x0;
	s0 =	rddreg [dreg:$0x3]  }
0xb8: {  	s0 =	sadd.s32 @!p0 $0x100000, s0  }
0xb9: {  	[sflag:s0] =	ssyncadd.tile.s32 @!p0 $0x1;
	_ =	shalt  }
.Lfunc_end2:
_tile_overlayer_lowered:
.L_overlay_start_2:
0xba: {  	(tag) =	ssettag $0x2  }
0xbb: {  	s0 =	rddreg [dreg:$0x0];
	s2 =	stileid.u32  }
0xbc: {  	s1 =	rddreg [dreg:$0x1];
	p0 =	sne.s32 s2, $0x0  }
0xbd: {  	s3 =	rddreg [dreg:$0x2];
	[bflag:$0x3] =	sbarrier.arrive $0xFFFF;
	s2 =	simm.s32 @!p0 $0x1C02  }
0xbe: {  	[timem:s3], [sflag:s2] =	dma.local @!p0 [hbm:s0], s1  }
0xbf: {  	s0 =	simm.s32 @!p0 $0x2  }
0xc0: {  	_ =	swait.ge @!p0 [sflag:s0], s1  }
0xc1: {  	s1 =	ssub.s32 @!p0 $0x0, s1;
	[sflag:s0] =	ssyncset.done @!p0 $0x0  }
0xc2: {  	[sflag:s0] =	ssyncadd.s32 @!p0 s1  }
0xc3: {  	[bflag:$0x3] =	sbarrier.arrive $0xFFFF  }
0xc4: {  	_ =	shalt  }

// kernel: kernel.9.cloned.1.call-start
scs
__scs_entry_jumppad:
0x0: {  	(pc) =	sbr.rel $0x88, $3  }
0x1: {  	(tag) =	ssettag $0x0;
	lr =	simm.s32 $0x1  }
0x2: {  	[smem:$0x3F9A] =	sst lr;
	_ =	strace $0xD0000000  }
0x3: {  	_ = 	snop  }
0x4: {  	_ = 	snop  }
0x5: {  	_ = 	snop  }
0x6: {  	_ = 	snop  }
0x7: {  	_ = 	snop  }
__scs_overlays_trampoline_lowered:
0x8: {  	[smem:$0x3FA9] =	sst s0  }
0x9: {  	[smem:$0x3FAA] =	sst s1  }
0xa: {  	[smem:$0x3FAB] =	sst s2  }
0xb: {  	[smem:$0x3FAC] =	sst s3  }
0xc: {  	[smem:$0x3FAD] =	sst s4  }
0xd: {  	[smem:$0x3FAE] =	sst s5  }
0xe: {  	[smem:$0x3FAF] =	sst s6  }
0xf: {  	[smem:$0x3FB0] =	sst s7  }
0x10: {  	[smem:$0x3FB1] =	sst s8  }
0x11: {  	[smem:$0x3FB2] =	sst s9;
	s0 =	simm.s32 @!p0 $0x0  }
0x12: {  	s1 =	sld [smem:$0x3F98];
	s0 =	simm.s32 @p0 $0x1  }
0x13: {  	[smem:$0x3FB3] =	sst s0;
	s0 =	simm.s32 @!p1 $0x0  }
0x14: {  	s2 =	sld [smem:$0x3F97];
	s0 =	simm.s32 @p1 $0x1  }
0x15: {  	[smem:$0x3FB4] =	sst s0;
	s0 =	simm.s32 @!p2 $0x0  }
0x16: {  	s3 =	sld [smem:$0x3FDB];
	s0 =	simm.s32 @p2 $0x1  }
0x17: {  	s4 =	simm.s32 $0x1BF5;
	[smem:$0x3FB6] =	sst s0  }
0x18: {  	s0 =	sld [smem:$0x3F99];
	_ =	swait.ge [sflag:s4], $0x0  }
0x19: {  	s7 =	sld [smem:$0x3F9A]  }
0x1a: {  	s8 =	sadd.s32 $0xFFFFE003, lr  }
0x1b: {  	s9 =	sadd.s32 $0xFFFFFEF7, lr;
	s5 =	simm.s32 $0xFFFFFFFF;
	p2 =	slt.u32 s8, $0xFFFFF086  }
0x1c: {  	p1 =	slt.u32 s9, $0xF7A;
	s5 =	simm.s32 @!p2 $0x0  }
0x1d: {  	s5 =	simm.s32 @p1 $0x1;
	p0 =	seq.s32 s7, s2  }
0x1e: {  	s7 =	smul.u32 @!p0 $0xF7A, s2;
	p2 =	seq.s32 @!p0 s5, $0x0  }
0x1f: {  	s9 =	smul.u32 $0xF7A, s1;
	s8 =	simm.s32 @!p0 $0x1BF5;
	p2 =	por !p2, p0  }
0x20: {  	[sflag:s8] =	ssyncset.s32 @!p0 $0xFFFFF086;
	s6 =	sadd.s32 @!p0 s3, s7;
	s7 =	simm.s32 @!p0 $0x108  }
0x21: {  	s3 =	sadd.s32 s3, s9;
	s6 =	sadd.s32 @!p0 $0x88, s6;
	s7 =	simm.s32 @p2 $0x1082  }
0x22: {  	[simem:s7], [sflag:s8] =	dma.local @!p0 [hbm:s6], $0xF7A  }
0x23: {  	s9 =	sor.u32 $0xD0000000, s2;
	s6 =	simm.s32 $0x108;
	_ =	swait.ge @!p0 [sflag:s8], $0x0  }
0x24: {  	s3 =	sadd.s32 $0x88, s3;
	s6 =	simm.s32 @!p1 $0x1082;
	[sflag:s4] =	ssyncset.s32 $0xFFFFF086  }
0x25: {  	[simem:s6], [sflag:s4] =	dma.local [hbm:s3], $0xF7A  }
0x26: {  	[smem:$0x3F9A] =	sst s1;
	(tag) =	ssettag s2;
	_ =	strace s9  }
0x27: {  	s1 =	sld [smem:$0x3FAA]  }
0x28: {  	s2 =	sld [smem:$0x3FAB]  }
0x29: {  	s4 =	sld [smem:$0x3FAD]  }
0x2a: {  	p0 =	seq.s32 s5, $0x0;
	s5 =	sld [smem:$0x3FAE]  }
0x2b: {  	s6 =	sld [smem:$0x3FAF]  }
0x2c: {  	s7 =	sld [smem:$0x3FB0]  }
0x2d: {  	s3 =	simm.s32 $0x108;
	s8 =	sld [smem:$0x3FB1]  }
0x2e: {  	s3 =	simm.s32 @!p0 $0x1082;
	s9 =	sld [smem:$0x3FB2]  }
0x2f: {  	lr =	sadd.s32 s0, s3;
	s0 =	sld [smem:$0x3FA9]  }
0x30: {  	s3 =	sld [smem:$0x3FAC]  }
0x31: {  	[smem:$0x3FB5] =	sst s10  }
0x32: {  	s10 =	sld [smem:$0x3FB3];
	_ =	sdelay $0x3  }
0x33: {  	p0 =	seq.s32 s10, $0x1;
	s10 =	sld [smem:$0x3FB5];
	_ =	sdelay $0x3  }
0x34: {  	[smem:$0x3FB5] =	sst s10  }
0x35: {  	s10 =	sld [smem:$0x3FB4];
	_ =	sdelay $0x3  }
0x36: {  	p1 =	seq.s32 s10, $0x1;
	s10 =	sld [smem:$0x3FB5];
	_ =	sdelay $0x3  }
0x37: {  	[smem:$0x3FB5] =	sst s10  }
0x38: {  	s10 =	sld [smem:$0x3FB6]  }
0x39: {  	_ = 	snop;
	(pc) =	sbr.ind lr, $3  }
0x3a: {  	_ = 	snop  }
0x3b: {  	_ = 	snop  }
0x3c: {  	p2 =	seq.s32 s10, $0x1;
	s10 =	sld [smem:$0x3FB5]  }
0x3d: {  	_ =	shalt  }
0x3e: {  	_ =	shalt  }
0x3f: {  	_ =	shalt  }
0x40: {  	_ =	shalt  }
0x41: {  	_ =	shalt  }
0x42: {  	_ =	shalt  }
0x43: {  	_ =	shalt  }
0x44: {  	_ =	shalt  }
0x45: {  	_ =	shalt  }
0x46: {  	_ =	shalt  }
0x47: {  	_ =	shalt  }
0x48: {  	_ =	shalt  }
0x49: {  	_ =	shalt  }
0x4a: {  	_ =	shalt  }
0x4b: {  	_ =	shalt  }
0x4c: {  	_ =	shalt  }
0x4d: {  	_ =	shalt  }
0x4e: {  	_ =	shalt  }
0x4f: {  	_ =	shalt  }
0x50: {  	_ =	shalt  }
0x51: {  	_ =	shalt  }
0x52: {  	_ =	shalt  }
0x53: {  	_ =	shalt  }
0x54: {  	_ =	shalt  }
0x55: {  	_ =	shalt  }
0x56: {  	_ =	shalt  }
0x57: {  	_ =	shalt  }
0x58: {  	_ =	shalt  }
0x59: {  	_ =	shalt  }
0x5a: {  	_ =	shalt  }
0x5b: {  	_ =	shalt  }
0x5c: {  	_ =	shalt  }
0x5d: {  	_ =	shalt  }
0x5e: {  	_ =	shalt  }
0x5f: {  	_ =	shalt  }
0x60: {  	_ =	shalt  }
0x61: {  	_ =	shalt  }
0x62: {  	_ =	shalt  }
0x63: {  	_ =	shalt  }
0x64: {  	_ =	shalt  }
0x65: {  	_ =	shalt  }
0x66: {  	_ =	shalt  }
0x67: {  	_ =	shalt  }
0x68: {  	_ =	shalt  }
0x69: {  	_ =	shalt  }
0x6a: {  	_ =	shalt  }
0x6b: {  	_ =	shalt  }
0x6c: {  	_ =	shalt  }
0x6d: {  	_ =	shalt  }
0x6e: {  	_ =	shalt  }
0x6f: {  	_ =	shalt  }
0x70: {  	_ =	shalt  }
0x71: {  	_ =	shalt  }
0x72: {  	_ =	shalt  }
0x73: {  	_ =	shalt  }
0x74: {  	_ =	shalt  }
0x75: {  	_ =	shalt  }
0x76: {  	_ =	shalt  }
0x77: {  	_ =	shalt  }
0x78: {  	_ =	shalt  }
0x79: {  	_ =	shalt  }
0x7a: {  	_ =	shalt  }
0x7b: {  	_ =	shalt  }
0x7c: {  	_ =	shalt  }
0x7d: {  	_ =	shalt  }
0x7e: {  	_ =	shalt  }
0x7f: {  	_ =	shalt  }
0x80: {  	_ =	shalt  }
0x81: {  	_ =	shalt  }
0x82: {  	_ =	shalt  }
0x83: {  	_ =	shalt  }
0x84: {  	_ =	shalt  }
0x85: {  	_ =	shalt  }
0x86: {  	_ =	shalt  }
0x87: {  	_ =	shalt  }
.Lfunc_end0:
.L_simem_size_0:
called_computation.1_lowered:
.L_overlay_start_0:
0x88: {  	s2 =	sld [smem:$0x3FD9]  }
0x89: {  	s3 =	sld [smem:$0x3FFE];
	_ =	sdelay $0x1  }
0x8a: {  	s1 =	srdreg.scid  }
0x8b: {  	s0 =	sand.u32 $0x1, s1  }
0x8c: {  	s14 =	sshll.u32 s0, $0xA;
	s2 =	sadd.s32 s3, s2  }
0x8d: {  	s2 =	sadd.s32 s2, s14  }
0x8e: {  	[smem:$0x3FC1] =	sst s2  }
0x8f: {  	_ = 	snop  }
0x90: {  	s2 =	sld [smem:$0x3FD0];
	_ =	sdelay $0x2  }
0x91: {  	s15 =	simm.s32 $0xA;
	s4 =	simm.s32 $0x10  }
0x92: {  	[smem:s4], [sflag:s15] =	dma.local [hbm:s2], $0x1  }
0x93: {  	_ =	swait.eq [sflag:s15], $0x1  }
0x94: {  	[sflag:s15] =	ssyncset.done $0x0  }
0x95: {  	[sflag:s15] =	ssyncadd.s32 $0xFFFFFFFF  }
0x96: {  	s16 =	sld [smem:$0x10];
	(tm) =	ssettm $0x1  }
0x97: {  	s17 =	sld [smem:$0x3FFB];
	_ =	sdelay $0x3  }
0x98: {  	_ =	strace s17  }
0x99: {  	s3 =	sld [smem:$0x3FFC];
	_ =	sdelay $0x3  }
0x9a: {  	_ =	strace s3  }
0x9b: {  	s3 =	sld [smem:$0x3FFD];
	_ =	sdelay $0x3  }
0x9c: {  	_ =	strace s3  }
0x9d: {  	_ =	strace $0x8FFFFFFF  }
0x9e: {  	s18 =	sld [smem:$0x3FDB];
	_ =	sdelay $0x1  }
0x9f: {  	s19 =	simm.s32 $_scs_section_size  }
0xa0: {  	s5 =	simm.s32 $_size__tile_overlayer_lowered;
	s6 =	simm.s32 $_tile_overlayer_lowered  }
0xa1: {  	s22 =	simm.s32 $0x1BFF;
	s21 =	sshll.u32 s6, $0x1;
	s3 =	sadd.s32 s19, s18  }
0xa2: {  	s7 =	simm.s32 $0x0;
	s20 =	sshll.u32 s5, $0x1;
	s5 =	sadd.s32 s21, s3  }
0xa3: {  	[timem:s7], [sflag:s22] =	dma.local [hbm:s5], s20  }
0xa4: {  	_ =	swait.ge [sflag:s22], s20  }
0xa5: {  	s4 =	ssub.s32 $0x0, s20;
	[sflag:s22] =	ssyncset.done $0x0  }
0xa6: {  	[sflag:s22] =	ssyncadd.s32 s4;
	_ =	sdelay $0x1  }
0xa7: {  	s23 =	simm.s32 $0x1B8B  }
0xa8: {  	_ =	swait.ge [sflag:s23], $0x1  }
0xa9: {  	[sflag:s23] =	ssyncset.done $0x0  }
0xaa: {  	s25 =	simm.s32 $0x1B8E;
	s24 =	sld [smem:$0x3FFE];
	[sflag:s23] =	ssyncadd.s32 $0xFFFFFFFF  }
0xab: {  	s26 =	simm.s32 $execute0_lowered;
	[smem:$0x3FD2] =	sst s25  }
0xac: {  	s5 =	sshll.u32 s26, $0x1;
	_ =	strace $0x80000049;
	[dreg:$0x1] =	wrdreg $0xFFFFFFFF  }
0xad: {  	s28 =	simm.s32 $_size_execute0_lowered;
	s3 =	sadd.s32 s3, s5;
	[dreg:$0x0] =	wrdreg $0x0  }
0xae: {  	s5 =	sshll.u32 s28, $0x1;
	[dreg:$0x2] =	wrdreg s3  }
0xaf: {  	[dreg:$0x3] =	wrdreg s5  }
0xb0: {  	[dreg:$0x4] =	wrdreg $0xC0  }
0xb1: {  	_ =	task [dreg:s7], $0x5FFFF  }
0xb2: {  	[dreg:$0x1] =	wrdreg $0xFFFFFFFF  }
0xb3: {  	[dreg:$0x0] =	wrdreg $0x60  }
0xb4: {  	[dreg:$0x2] =	wrdreg s24  }
0xb5: {  	[dreg:$0x3] =	wrdreg s16  }
0xb6: {  	[dreg:$0x4] =	wrdreg $0x9  }
0xb7: {  	_ =	task.clear_ibuf [dreg:s7], $0x5FFFF;
	_ =	strace $0x90000049  }
0xb8: {  	s29 =	simm.s32 $0x9;
	_ =	strace $0x8000004B  }
0xb9: {  	_ =	swait.ge [sflag:s29], $0x1  }
0xba: {  	[sflag:s29] =	ssyncadd.s32 $0xFFFFFFFF  }
0xbb: {  	_ =	strace $0x9000004B  }
0xbc: {  	_ =	sfence  }
0xbd: {  	s30 =	sld [smem:$0x0];
	_ =	sdelay $0x2  }
0xbe: {  	s31 =	sshll.u32 s1, $0xD;
	s1 =	sshrl.u32 s1, $0x2  }
0xbf: {  	s3 =	sand.u32 $0x4000, s31;
	s1 =	sadd.s32 s1, s30  }
0xc0: {  	s0 =	sor.u32 s3, s0;
	s1 =	sshll.u32 s1, $0x11  }
0xc1: {  	s0 =	sor.u32 s1, s0  }
0xc2: {  	s0 =	sadd.s32 $0x8F2B, s0  }
0xc3: {  	[sflag:s0] =	ssyncadd.remote.s32 $0x1  }
0xc4: {  	_ =	sfence.sel $0xFFFF  }
0xc5: {  	[dreg:$0x0] =	wrdreg $0xFFFFFFFF;
	(pc) =	sbr.abs _section_cstart, $3  }
0xc6: {  	[dreg:$0x1] =	wrdreg $0xFFFFFFFF  }
0xc7: {  	_ =	task.clear_ibuf [dreg:s7], $0x2FFFF;
	_ =	strace $0x9FFFFFFF  }
0xc8: {  	(tm) =	ssettm $0x7FFFFFFF  }
0xc9: {  	_ =	shalt  }
tec
execute0_lowered:
.L_overlay_start_1:
0x0: {  	(tag) =	ssettag $0x1  }
0x1: {  	s1 =	rddreg [dreg:$0x0];
	s2 =	srdreg.scid  }
0x2: {  	s0 =	stileid.u32;
	s3 =	rddreg [dreg:$0x1];
	s14 =	simm.s32 $0x880  }
0x3: {  	s15 =	simm.s32 $0x1080;
	s5 =	sand.u32 $0x1, s2;
	s2 =	simm.s32 $0x0  }
0x4: {  	s16 =	simm.s32 $0x1880;
	s17 =	simm.s32 $0x2080;
	[smem:$0x7FF] =	sst s2  }
0x5: {  	s19 =	simm.s32 $0x2880;
	_ =	strace $0x8000004A;
	[dreg:$0x7] =	wrdreg s14  }
0x6: {  	s20 =	simm.s32 $0x3080;
	s21 =	simm.s32 $0x3880;
	[dreg:$0x8] =	wrdreg s15  }
0x7: {  	s9 =	simm.s32 $0x4080;
	s22 =	simm.s32 $0x4880;
	[dreg:$0x9] =	wrdreg s16  }
0x8: {  	s23 =	simm.s32 $0x5080;
	s24 =	simm.s32 $0x5880;
	[dreg:$0xa] =	wrdreg s17  }
0x9: {  	s10 =	simm.s32 $0x3;
	s25 =	simm.s32 $0x6080;
	[dreg:$0xb] =	wrdreg s19  }
0xa: {  	s11 =	simm.s32 $0x80;
	s26 =	simm.s32 $0x6880;
	[dreg:$0xc] =	wrdreg s20  }
0xb: {  	s28 =	simm.s32 $0xE880;
	s29 =	simm.s32 $0xF080;
	[dreg:$0xd] =	wrdreg s21  }
0xc: {  	s30 =	simm.s32 $0xF880;
	s4 =	sshll.u32 s0, $0x1;
	[dreg:$0xe] =	wrdreg s9  }
0xd: {  	s31 =	simm.s32 $0x1;
	s4 =	sor.u32 s5, s4;
	[dreg:$0xf] =	wrdreg s22  }
0xe: {  	s5 =	ssub.s32 $0x2, s5;
	s6 =	sshll.u32 s4, $0xC;
	[dreg:$0x10] =	wrdreg s23  }
0xf: {  	s7 =	sshll.u32 s4, $0x3;
	s4 =	sshll.u32 s4, $0xD;
	[dreg:$0x11] =	wrdreg s24  }
0x10: {  	s18 =	sshrl.u32 s5, $0x1;
	s9 =	simm.s32 $0x10080;
	[dreg:$0x12] =	wrdreg s25  }
0x11: {  	[dreg:$0x13] =	wrdreg s26;
	s14 =	simm.s32 $0x8080;
	s15 =	simm.s32 $0x8880  }
0x12: {  	s16 =	simm.s32 $0x9080;
	s17 =	simm.s32 $0x9880;
	s19 =	simm.s32 $0xA880  }
0x13: {  	s20 =	simm.s32 $0xB080;
	s21 =	simm.s32 $0xB880;
	s22 =	simm.s32 $0xC080  }
0x14: {  	s23 =	simm.s32 $0xC880;
	s24 =	simm.s32 $0xD080;
	s25 =	simm.s32 $0xD880  }
0x15: {  	s26 =	simm.s32 $0xE080;
	s6 =	sadd.s32 s6, s1;
	s7 =	sadd.s32 s7, s1  }
0x16: {  	s3 =	sadd.s32 s3, s4;
	s8 =	ssub.s32 s5, s18;
	s6 =	sadd.s32 $0x65000, s6  }
0x17: {  	s5 =	sadd.s32 $0x1100, s1;
	s12 =	sadd.s32 $0xE00, s7;
	[dreg:$0x3] =	wrdreg s6  }
0x18: {  	s18 =	simm.s32 $0xA080;
	s4 =	sadd.s32 $0x40000, s3;
	[dreg:$0x4] =	wrdreg s12  }
0x19: {  	v2 =	vlaneseq.u32;
	s13 =	sadd.s32 $0x41000, s3;
	s7 =	sadd.s32 $0x1300, s1;
	[dreg:$0x5] =	wrdreg s4  }
0x1a: {  	vm0 =	vmmov $0xffff;
	v1 =	vshrl.u32 v2, $0x3;
	s8 =	smax.u32 s8, $0x1;
	[dreg:$0x6] =	wrdreg s13;
	s4 =	sadd.s32 $0x1000, s1  }
0x1b: {  	v0 =	vand.u32 $0x7, v2;
	v2 =	vor.u32 $0x8, v2;
	v1 =	vmul.u32 $0x8, v1;
	s6 =	sadd.s32 $0x1200, s1;
	s13 =	simm.s32 $0x7880;
	s1 =	simm.s32 $0x2  }
.LBB2_1:
0x1c: {  	s0 =	rddreg [dreg:$0x3]  }
0x1d: {  	[tilespmem:s9], [sflag:$0x2] =	stream.linear.gather [hbm4b:s0+s2], $0x8000, $0x38;
	[tilespmem:$0x18080] =	vst v63  }
0x1e: {  	s12 =	rddreg [dreg:$0x4]  }
0x1f: {  	[tilespmem:s2], [sflag:$0x3] =	stream.linear.gather [hbm4b:s12+s2], $0x40, $0x38;
	[tilespmem:$0x18080] =	vst v63  }
0x20: {  	_ =	swait.ge [sflag:s10], $0x40  }
0x21: {  	[sflag:s10] =	ssyncset.done $0x0  }
0x22: {  	[sflag:s10] =	ssyncadd.s32 $0xFFFFFFC0  }
0x23: {  	v3 =	vld [tilespmem:$0x0];
	_ =	sdelay $0x4  }
0x24: {  	v4 =	vshll.u32 v3, $0x3  }
0x25: {  	v3 =	vand.u32 $0x7, v3;
	v4 =	vand.u32 $0xFFFFFFC0, v4  }
0x26: {  	v3 =	vor.u32 v3, v4  }
0x27: {  	v4 =	vperm.xlane v3, v0;
	_ =	sdelay $0x1  }
0x28: {  	v4 =	vadd.s32 v1, v4;
	_ =	sdelay $0x4  }
0x29: {  	[tilespmem:s11], [sflag:$0x1] =	stream.indirect_vreg.gather [hbm4b:s4+s2], $0x80, v4, vm0, $0xb8;
	[tilespmem:$0x18080] =	vst v63  }
0x2a: {  	s0 =	rddreg [dreg:$0x7];
	v3 =	vperm.xlane v3, v2  }
0x2b: {  	[tilespmem:s0], [sflag:$0x1] =	stream.indirect_vreg.gather [hbm4b:s5+s2], $0x80, v4, vm0, $0xb8;
	[tilespmem:$0x18080] =	vst v63  }
0x2c: {  	s12 =	rddreg [dreg:$0x8];
	v3 =	vadd.s32 v1, v3  }
0x2d: {  	[tilespmem:s12], [sflag:$0x1] =	stream.indirect_vreg.gather [hbm4b:s6+s2], $0x80, v4, vm0, $0xb8;
	[tilespmem:$0x18080] =	vst v63  }
0x2e: {  	s0 =	rddreg [dreg:$0x9]  }
0x2f: {  	[tilespmem:s0], [sflag:$0x1] =	stream.indirect_vreg.gather [hbm4b:s7+s2], $0x80, v4, vm0, $0xb8;
	[tilespmem:$0x18080] =	vst v63  }
0x30: {  	s12 =	rddreg [dreg:$0xa]  }
0x31: {  	[tilespmem:s12], [sflag:$0x1] =	stream.indirect_vreg.gather [hbm4b:s4+s2], $0x80, v3, vm0, $0xb8;
	[tilespmem:$0x18080] =	vst v63  }
0x32: {  	s0 =	rddreg [dreg:$0xb]  }
0x33: {  	[tilespmem:s0], [sflag:$0x1] =	stream.indirect_vreg.gather [hbm4b:s5+s2], $0x80, v3, vm0, $0xb8;
	[tilespmem:$0x18080] =	vst v63  }
0x34: {  	s12 =	rddreg [dreg:$0xc]  }
0x35: {  	[tilespmem:s12], [sflag:$0x1] =	stream.indirect_vreg.gather [hbm4b:s6+s2], $0x80, v3, vm0, $0xb8;
	[tilespmem:$0x18080] =	vst v63  }
0x36: {  	s0 =	rddreg [dreg:$0xd]  }
0x37: {  	[tilespmem:s0], [sflag:$0x1] =	stream.indirect_vreg.gather [hbm4b:s7+s2], $0x80, v3, vm0, $0xb8;
	[tilespmem:$0x18080] =	vst v63  }
0x38: {  	v3 =	vld [tilespmem:$0x10];
	_ =	sdelay $0x4  }
0x39: {  	v61 =	vshll.u32 v3, $0x3  }
0x3a: {  	v3 =	vand.u32 $0x7, v3;
	v4 =	vand.u32 $0xFFFFFFC0, v61  }
0x3b: {  	v3 =	vor.u32 v3, v4  }
0x3c: {  	v4 =	vperm.xlane v3, v0;
	_ =	sdelay $0x1  }
0x3d: {  	v4 =	vadd.s32 v1, v4;
	_ =	sdelay $0x3  }
0x3e: {  	s0 =	rddreg [dreg:$0xe]  }
0x3f: {  	[tilespmem:s0], [sflag:$0x1] =	stream.indirect_vreg.gather [hbm4b:s4+s2], $0x80, v4, vm0, $0xb8;
	[tilespmem:$0x18080] =	vst v63  }
0x40: {  	s12 =	rddreg [dreg:$0xf];
	v3 =	vperm.xlane v3, v2  }
0x41: {  	[tilespmem:s12], [sflag:$0x1] =	stream.indirect_vreg.gather [hbm4b:s5+s2], $0x80, v4, vm0, $0xb8;
	[tilespmem:$0x18080] =	vst v63  }
0x42: {  	v3 =	vadd.s32 v1, v3;
	s0 =	rddreg [dreg:$0x10]  }
0x43: {  	[tilespmem:s0], [sflag:$0x1] =	stream.indirect_vreg.gather [hbm4b:s6+s2], $0x80, v4, vm0, $0xb8;
	[tilespmem:$0x18080] =	vst v63  }
0x44: {  	s12 =	rddreg [dreg:$0x11]  }
0x45: {  	[tilespmem:s12], [sflag:$0x1] =	stream.indirect_vreg.gather [hbm4b:s7+s2], $0x80, v4, vm0, $0xb8;
	[tilespmem:$0x18080] =	vst v63  }
0x46: {  	s0 =	rddreg [dreg:$0x12]  }
0x47: {  	[tilespmem:s0], [sflag:$0x1] =	stream.indirect_vreg.gather [hbm4b:s4+s2], $0x80, v3, vm0, $0xb8;
	[tilespmem:$0x18080] =	vst v63  }
0x48: {  	s12 =	rddreg [dreg:$0x13]  }
0x49: {  	[tilespmem:s12], [sflag:$0x1] =	stream.indirect_vreg.gather [hbm4b:s5+s2], $0x80, v3, vm0, $0xb8;
	[tilespmem:$0x18080] =	vst v63  }
0x4a: {  	s12 =	simm.s32 $0x7080  }
0x4b: {  	[tilespmem:s12], [sflag:$0x1] =	stream.indirect_vreg.gather [hbm4b:s6+s2], $0x80, v3, vm0, $0xb8;
	[tilespmem:$0x18080] =	vst v63  }
0x4c: {  	_ = 	snop  }
0x4d: {  	[tilespmem:s13], [sflag:$0x1] =	stream.indirect_vreg.gather [hbm4b:s7+s2], $0x80, v3, vm0, $0xb8;
	[tilespmem:$0x18080] =	vst v63  }
0x4e: {  	v3 =	vld [tilespmem:$0x20];
	_ =	sdelay $0x4  }
0x4f: {  	v62 =	vshll.u32 v3, $0x3  }
0x50: {  	v3 =	vand.u32 $0x7, v3;
	v4 =	vand.u32 $0xFFFFFFC0, v62  }
0x51: {  	v3 =	vor.u32 v3, v4  }
0x52: {  	v4 =	vperm.xlane v3, v0;
	_ =	sdelay $0x1  }
0x53: {  	v4 =	vadd.s32 v1, v4;
	_ =	sdelay $0x4  }
0x54: {  	[tilespmem:s14], [sflag:$0x1] =	stream.indirect_vreg.gather [hbm4b:s4+s2], $0x80, v4, vm0, $0xb8;
	[tilespmem:$0x18080] =	vst v63  }
0x55: {  	v3 =	vperm.xlane v3, v2  }
0x56: {  	[tilespmem:s15], [sflag:$0x1] =	stream.indirect_vreg.gather [hbm4b:s5+s2], $0x80, v4, vm0, $0xb8;
	[tilespmem:$0x18080] =	vst v63  }
0x57: {  	v3 =	vadd.s32 v1, v3  }
0x58: {  	[tilespmem:s16], [sflag:$0x1] =	stream.indirect_vreg.gather [hbm4b:s6+s2], $0x80, v4, vm0, $0xb8;
	[tilespmem:$0x18080] =	vst v63  }
0x59: {  	_ = 	snop  }
0x5a: {  	[tilespmem:s17], [sflag:$0x1] =	stream.indirect_vreg.gather [hbm4b:s7+s2], $0x80, v4, vm0, $0xb8;
	[tilespmem:$0x18080] =	vst v63  }
0x5b: {  	_ = 	snop  }
0x5c: {  	[tilespmem:s18], [sflag:$0x1] =	stream.indirect_vreg.gather [hbm4b:s4+s2], $0x80, v3, vm0, $0xb8;
	[tilespmem:$0x18080] =	vst v63  }
0x5d: {  	_ = 	snop  }
0x5e: {  	[tilespmem:s19], [sflag:$0x1] =	stream.indirect_vreg.gather [hbm4b:s5+s2], $0x80, v3, vm0, $0xb8;
	[tilespmem:$0x18080] =	vst v63  }
0x5f: {  	_ = 	snop  }
0x60: {  	[tilespmem:s20], [sflag:$0x1] =	stream.indirect_vreg.gather [hbm4b:s6+s2], $0x80, v3, vm0, $0xb8;
	[tilespmem:$0x18080] =	vst v63  }
0x61: {  	_ = 	snop  }
0x62: {  	[tilespmem:s21], [sflag:$0x1] =	stream.indirect_vreg.gather [hbm4b:s7+s2], $0x80, v3, vm0, $0xb8;
	[tilespmem:$0x18080] =	vst v63  }
0x63: {  	v3 =	vld [tilespmem:$0x30];
	_ =	sdelay $0x4  }
0x64: {  	v63 =	vshll.u32 v3, $0x3  }
0x65: {  	v3 =	vand.u32 $0x7, v3;
	v4 =	vand.u32 $0xFFFFFFC0, v63  }
0x66: {  	v3 =	vor.u32 v3, v4  }
0x67: {  	v4 =	vperm.xlane v3, v0;
	_ =	sdelay $0x1  }
0x68: {  	v4 =	vadd.s32 v1, v4;
	_ =	sdelay $0x4  }
0x69: {  	[tilespmem:s22], [sflag:$0x1] =	stream.indirect_vreg.gather [hbm4b:s4+s2], $0x80, v4, vm0, $0xb8;
	[tilespmem:$0x18080] =	vst v63  }
0x6a: {  	v3 =	vperm.xlane v3, v2  }
0x6b: {  	[tilespmem:s23], [sflag:$0x1] =	stream.indirect_vreg.gather [hbm4b:s5+s2], $0x80, v4, vm0, $0xb8;
	[tilespmem:$0x18080] =	vst v63  }
0x6c: {  	v3 =	vadd.s32 v1, v3  }
0x6d: {  	[tilespmem:s24], [sflag:$0x1] =	stream.indirect_vreg.gather [hbm4b:s6+s2], $0x80, v4, vm0, $0xb8;
	[tilespmem:$0x18080] =	vst v63  }
0x6e: {  	_ = 	snop  }
0x6f: {  	[tilespmem:s25], [sflag:$0x1] =	stream.indirect_vreg.gather [hbm4b:s7+s2], $0x80, v4, vm0, $0xb8;
	[tilespmem:$0x18080] =	vst v63  }
0x70: {  	_ = 	snop  }
0x71: {  	[tilespmem:s26], [sflag:$0x1] =	stream.indirect_vreg.gather [hbm4b:s4+s2], $0x80, v3, vm0, $0xb8;
	[tilespmem:$0x18080] =	vst v63  }
0x72: {  	_ = 	snop  }
0x73: {  	[tilespmem:s28], [sflag:$0x1] =	stream.indirect_vreg.gather [hbm4b:s5+s2], $0x80, v3, vm0, $0xb8;
	[tilespmem:$0x18080] =	vst v63  }
0x74: {  	_ = 	snop  }
0x75: {  	[tilespmem:s29], [sflag:$0x1] =	stream.indirect_vreg.gather [hbm4b:s6+s2], $0x80, v3, vm0, $0xb8;
	[tilespmem:$0x18080] =	vst v63  }
0x76: {  	_ = 	snop  }
0x77: {  	[tilespmem:s30], [sflag:$0x1] =	stream.indirect_vreg.gather [hbm4b:s7+s2], $0x80, v3, vm0, $0xb8;
	[tilespmem:$0x18080] =	vst v63  }
0x78: {  	_ =	swait.ge [sflag:s31], $0x10000  }
0x79: {  	[sflag:s31] =	ssyncset.done $0x0  }
0x7a: {  	[sflag:s31] =	ssyncadd.s32 $0xFFFF0000  }
0x7b: {  	[hbm4b:s3+s2] =	stream.linear.scatter [tilespmem:s11], [sflag:$0x3], $0x10000, $0x38;
	[tilespmem:$0x18080] =	vst v63  }
0x7c: {  	_ =	swait.ge [sflag:s10], $0x10000  }
0x7d: {  	[sflag:s10] =	ssyncset.done $0x0  }
0x7e: {  	[sflag:s10] =	ssyncadd.s32 $0xFFFF0000  }
0x7f: {  	_ =	swait.ge [sflag:s1], $0x8000  }
0x80: {  	[sflag:s1] =	ssyncset.done $0x0  }
0x81: {  	s12 =	rddreg [dreg:$0x5];
	[sflag:s1] =	ssyncadd.s32 $0xFFFF8000  }
0x82: {  	[hbm4b:s12+s2] =	stream.linear.scatter [tilespmem:s9], [sflag:$0x3], $0x8000, $0x38;
	[tilespmem:$0x18080] =	vst v63  }
0x83: {  	_ =	swait.ge [sflag:s10], $0x8000  }
0x84: {  	p0 =	sne.s32 s8, $0x1;
	[sflag:s10] =	ssyncset.done $0x0  }
.Ltmp0:
0x85: {  	s12 =	rddreg [dreg:$0x6];
	[sflag:s10] =	ssyncadd.s32 $0xFFFF8000;
	(pc) =	sbr.rel @p0 .LBB2_1-.Ltmp0, $4  }
0x86: {  	[hbm4b:s12+s2] =	stream.linear.scatter [tilespmem:s9], [sflag:$0x3], $0x8000, $0x38;
	[tilespmem:$0x18080] =	vst v63  }
0x87: {  	_ =	swait.ge [sflag:s10], $0x8000  }
0x88: {  	[sflag:s10] =	ssyncset.done $0x0  }
0x89: {  	s8 =	sadd.s32 $0xFFFFFFFF, s8;
	[sflag:s10] =	ssyncadd.s32 $0xFFFF8000  }
0x8a: {  	_ =	sfence.sel $0x180000  }
0x8b: {  	[bflag:$0x0] =	sbarrier.arrive $0xFFFF  }
0x8c: {  	_ =	strace $0x9000004A  }
0x8d: {  	s0 =	stileid.u32;
	[bflag:$0x2] =	sbarrier.arrive $0xFFFF  }
0x8e: {  	p0 =	sne.s32 s0, $0x0;
	s0 =	rddreg [dreg:$0x2]  }
0x8f: {  	s0 =	sadd.s32 @!p0 $0x100000, s0  }
0x90: {  	[sflag:s0] =	ssyncadd.tile.s32 @!p0 $0x1;
	_ =	shalt  }
.Lfunc_end2:
_tile_overlayer_lowered:
.L_overlay_start_2:
0x91: {  	(tag) =	ssettag $0x2  }
0x92: {  	s0 =	rddreg [dreg:$0x0];
	s2 =	stileid.u32  }
0x93: {  	s1 =	rddreg [dreg:$0x1];
	p0 =	sne.s32 s2, $0x0  }
0x94: {  	s3 =	rddreg [dreg:$0x2];
	[bflag:$0x3] =	sbarrier.arrive $0xFFFF;
	s2 =	simm.s32 @!p0 $0x1C03  }
0x95: {  	[timem:s3], [sflag:s2] =	dma.local @!p0 [hbm:s0], s1  }
0x96: {  	s0 =	simm.s32 @!p0 $0x3  }
0x97: {  	_ =	swait.ge @!p0 [sflag:s0], s1  }
0x98: {  	s1 =	ssub.s32 @!p0 $0x0, s1;
	[sflag:s0] =	ssyncset.done @!p0 $0x0  }
0x99: {  	[sflag:s0] =	ssyncadd.s32 @!p0 s1  }
0x9a: {  	[bflag:$0x3] =	sbarrier.arrive $0xFFFF  }
0x9b: {  	_ =	shalt  }

</sc_bundles>
